<compile_context>
chip_gen: v7x
topology: tpu7x:2x2x1
jax: 0.10.2.dev20260603
libtpu: 0.0.44.dev20260713+nightly
codegen_flags: <defaults>
</compile_context>

<pallas_src>
import jax
import jax.numpy as jnp
from jax import lax
from jax.experimental import pallas as pl
from jax.experimental.pallas import tpu as pltpu
from jax.experimental.pallas import tpu_sc as plsc

N = 50000
E = 800000
H2 = 64
ROW = 128
NROWS = 6400
EPAD = NROWS * ROW
RROWS = E // ROW
NC, NS = 2, 16
NW = NC * NS
HALF = N // NC
ACC_ROWS = 25128
BIGROW = 25000
CROWS = EPAD // 2

RPW = 196
KBA = 7
PW = 16
PSTRIPE = 3128

HROWS = NROWS // 2
CRPT = HROWS // NS
RREAL = 3050
CB = 48
ZCH = 33
DCH = 33
TSTRIDE = 1568
ZSTRIDE = 1576

_SC_PARAMS = pltpu.CompilerParams(use_tc_tiling_on_sc=False,
                                  needs_layout_passes=False)


def _rsqrt_sc(d2):
    bits = plsc.bitcast(d2, jnp.int32)
    y = plsc.bitcast(0x5F3759DF - (bits >> 1), jnp.float32)
    for _ in range(3):
        y = y * (1.5 - (0.5 * d2 * y) * y)
    return y


def _gather_body(pos_hbm, src_hbm, dst_hbm, posU_hbm,
                 sidx, didx, sbuf, dbuf, planes, pos_sh, sem, sem2):
    c = lax.axis_index("c")
    s = lax.axis_index("s")
    wid = s * NC + c
    iota = lax.iota(jnp.int32, 16)

    soff = jnp.minimum(s * PSTRIPE, N - PSTRIPE)
    pltpu.sync_copy(pos_hbm.at[pl.ds(soff, PSTRIPE)],
                    pos_sh.at[pl.ds(soff, PSTRIPE)])
    plsc.subcore_barrier()

    start = jnp.minimum(wid * RPW, RROWS - RPW)
    NB = RPW // KBA

    def issue_idx(b, k):
        r0 = start + b * KBA
        pltpu.async_copy(src_hbm.at[pl.ds(r0 * ROW, KBA * ROW)],
                         sidx.at[k], sem)
        pltpu.async_copy(dst_hbm.at[pl.ds(r0 * ROW, KBA * ROW)],
                         didx.at[k], sem)

    def wait_idx(b, k):
        r0 = start + b * KBA
        pltpu.make_async_copy(src_hbm.at[pl.ds(r0 * ROW, KBA * ROW)],
                              sidx.at[k], sem).wait()
        pltpu.make_async_copy(dst_hbm.at[pl.ds(r0 * ROW, KBA * ROW)],
                              didx.at[k], sem).wait()

    def fire_gathers(k):
        for j in range(KBA):
            pltpu.async_copy(pos_sh.at[sidx.at[k, pl.ds(j * ROW, ROW)]],
                             sbuf.at[k, pl.ds(j * ROW, ROW)], sem2)
            pltpu.async_copy(pos_sh.at[didx.at[k, pl.ds(j * ROW, ROW)]],
                             dbuf.at[k, pl.ds(j * ROW, ROW)], sem2)

    def wait_gathers(k):
        for j in range(KBA):
            pltpu.make_async_copy(
                pos_sh.at[sidx.at[k, pl.ds(j * ROW, ROW)]],
                sbuf.at[k, pl.ds(j * ROW, ROW)], sem2).wait()
            pltpu.make_async_copy(
                pos_sh.at[didx.at[k, pl.ds(j * ROW, ROW)]],
                dbuf.at[k, pl.ds(j * ROW, ROW)], sem2).wait()

    def compute(b, k):
        def grp(g, carry2):
            ridx = g * 16 + iota
            grow = 3 * (g // 8)
            lo = (g % 8) * 16
            comp = []
            for cc in range(3):
                cidx = jnp.full((16,), cc, jnp.int32)
                xs = plsc.load_gather(sbuf.at[k], [ridx, cidx])
                xd = plsc.load_gather(dbuf.at[k], [ridx, cidx])
                comp.append(xd - xs)
            d2 = comp[0] * comp[0] + comp[1] * comp[1] + comp[2] * comp[2]
            r = _rsqrt_sc(d2)
            f = 1.0 / (d2 * r + 1e-6)
            for cc in range(3):
                planes[k, grow + cc, pl.ds(lo, 16)] = comp[cc] * f
            return carry2
        lax.fori_loop(0, KBA * 8, grp, 0)
        r0 = start + b * KBA
        pltpu.sync_copy(planes.at[k], posU_hbm.at[pl.ds(3 * r0, 3 * KBA)])

    issue_idx(0, 0)
    wait_idx(0, 0)
    fire_gathers(0)
    issue_idx(1, 1)

    def bloop(b, carry):
        k = lax.rem(b, 2)
        k1 = lax.rem(b + 1, 2)

        @pl.when(b + 1 < NB)
        def _():
            wait_idx(b + 1, k1)
            fire_gathers(k1)
        wait_gathers(k)
        compute(b, k)

        @pl.when(b + 2 < NB)
        def _():
            issue_idx(b + 2, k)
        return carry

    lax.fori_loop(0, NB, bloop, 0)


@jax.jit
def _gather_call(pos16, srcv, dstv):
    f = pl.kernel(
        _gather_body,
        out_type=jax.ShapeDtypeStruct((3 * NROWS, ROW), jnp.float32),
        mesh=plsc.VectorSubcoreMesh(core_axis_name="c", subcore_axis_name="s"),
        scratch_types=[
            pltpu.VMEM((2, KBA * ROW), jnp.int32),
            pltpu.VMEM((2, KBA * ROW), jnp.int32),
            pltpu.VMEM((2, KBA * ROW, PW), jnp.float32),
            pltpu.VMEM((2, KBA * ROW, PW), jnp.float32),
            pltpu.VMEM((2, 3 * KBA, ROW), jnp.float32),
            pltpu.VMEM_SHARED((N, PW), jnp.float32),
            pltpu.SemaphoreType.DMA,
            pltpu.SemaphoreType.DMA,
        ],
        compiler_params=_SC_PARAMS,
    )
    return f(pos16, srcv, dstv)


BE = 4096


def _mlp_body(w1_ref, b1_ref, gam2_ref, bet2_ref, w2d_ref, b22_ref,
              ul_ref, ur_ref, o_ref):
    w1 = w1_ref[...]
    b1 = b1_ref[...]
    gam2 = gam2_ref[...]
    bet2 = bet2_ref[...]
    w2d = w2d_ref[...]
    b22 = b22_ref[...]

    def mean64(v):
        return jnp.mean(v, axis=1, keepdims=True)

    x0, x1, x2 = w1[0:1], w1[1:2], w1[2:3]
    z1 = jnp.zeros((1, 1), jnp.float32)
    muW = jnp.concatenate(
        [mean64(x0), mean64(x1), mean64(x2),
         z1, z1, z1, z1, z1, z1, mean64(b1)], axis=0)
    qW = jnp.concatenate(
        [2 * mean64(b1 * x0), 2 * mean64(b1 * x1), 2 * mean64(b1 * x2),
         mean64(x0 * x0), mean64(x1 * x1), mean64(x2 * x2),
         2 * mean64(x0 * x1), 2 * mean64(x0 * x2), 2 * mean64(x1 * x2),
         mean64(b1 * b1)], axis=0)
    Wmq = jnp.concatenate([jnp.broadcast_to(muW, (10, H2)),
                           jnp.broadcast_to(qW, (10, H2))], axis=1)
    W1a = jnp.concatenate([w1, jnp.zeros((6, H2), jnp.float32), b1], axis=0)
    ones128 = jnp.ones((1, ROW), jnp.float32)

    def half(u_ref):
        hs, ms = [], []
        for g in range(BE // ROW):
            ug = u_ref[3 * g:3 * g + 3, :]
            ux, uy, uz = ug[0:1], ug[1:2], ug[2:3]
            F = jnp.concatenate(
                [ug, ux * ux, uy * uy, uz * uz,
                 ux * uy, ux * uz, uy * uz, ones128], axis=0)
            hs.append(lax.dot_general(F, W1a, (((0,), (0,)), ((), ())),
                                      preferred_element_type=jnp.float32))
            ms.append(lax.dot_general(F, Wmq, (((0,), (0,)), ((), ())),
                                      preferred_element_type=jnp.float32))
        return jnp.concatenate(hs, axis=0), jnp.concatenate(ms, axis=0)

    HL, ML = half(ul_ref)
    HR, MR = half(ur_ref)
    H = jnp.concatenate([HL, HR], axis=1)
    MU = jnp.concatenate([ML[:, :H2], MR[:, :H2]], axis=1)
    Q = jnp.concatenate([ML[:, H2:], MR[:, H2:]], axis=1)
    var = Q - MU * MU
    hn = (H - MU) * lax.rsqrt(var + 1e-5) * gam2 + bet2
    g = 0.5 * hn * (1.0 + lax.erf(hn * 0.7071067811865476))
    o_ref[...] = lax.dot_general(g, w2d, (((1,), (0,)), ((), ())),
                                 preferred_element_type=jnp.float32) + b22


@jax.jit
def _mlp_call(W1, b1, gamma, beta, W2, b2, posU):
    grid = (CROWS // BE,)
    full = lambda i: (0, 0)
    return pl.pallas_call(
        _mlp_body,
        grid=grid,
        in_specs=[
            pl.BlockSpec((3, H2), full),
            pl.BlockSpec((1, H2), full),
            pl.BlockSpec((1, 2 * H2), full),
            pl.BlockSpec((1, 2 * H2), full),
            pl.BlockSpec((2 * H2, 2 * H2), full),
            pl.BlockSpec((1, 2 * H2), full),
            pl.BlockSpec((3 * BE // ROW, ROW), lambda i: (i, 0)),
            pl.BlockSpec((3 * BE // ROW, ROW),
                         lambda i: (i + CROWS // BE, 0)),
        ],
        out_specs=pl.BlockSpec((BE, 2 * H2), lambda i: (i, 0)),
        out_shape=jax.ShapeDtypeStruct((CROWS, 2 * H2), jnp.float32),
    )(W1, b1.reshape(1, H2),
      jnp.tile(gamma, 2).reshape(1, 2 * H2),
      jnp.tile(beta, 2).reshape(1, 2 * H2),
      jnp.block([[W2, jnp.zeros((H2, H2), jnp.float32)],
                 [jnp.zeros((H2, H2), jnp.float32), W2]]),
      jnp.tile(b2, 2).reshape(1, 2 * H2), posU, posU)


def _scatter_body(codes_hbm, dst_hbm, out_hbm,
                  idx2, upd2, ones_v, obuf, degb, acc, deg, sem, sem2):
    c = lax.axis_index("c")
    t = lax.axis_index("s")
    base = c * HALF
    iota = lax.iota(jnp.int32, 16)
    zero16 = jnp.zeros((16,), jnp.float32)
    one16 = jnp.full((16,), 1.0, jnp.float32)

    def initrow(r, carry):
        for g in range(4):
            obuf[r, pl.ds(g * 16, 16)] = zero16
        return carry
    lax.fori_loop(0, CB, initrow, 0)
    for k in range(CB // 16):
        degb[pl.ds(k * 16, 16)] = zero16
    for k in range(ROW // 16):
        ones_v[pl.ds(k * 16, 16)] = one16

    def zchunk(i, carry):
        cs = jnp.minimum(t * ZSTRIDE + i * CB, ACC_ROWS - CB)
        pltpu.sync_copy(obuf, acc.at[pl.ds(cs, CB)])
        pltpu.sync_copy(degb, deg.at[pl.ds(cs, CB)])
        return carry
    lax.fori_loop(0, ZCH, zchunk, 0)
    plsc.subcore_barrier()

    def remap(idx):
        for i in range(8):
            v = idx[pl.ds(i * 16, 16)]
            inr = jnp.logical_and(v >= base, v < base + HALF)
            dumped = BIGROW + i * 16 + iota
            idx[pl.ds(i * 16, 16)] = jnp.where(inr, v - base, dumped)

    M = 2 * CRPT

    def eoff(m):
        jj = t * CRPT + (m >> 1)
        side = m & 1
        return jj * ROW + side * (EPAD // 2), side * H2, jj

    def isactive(m):
        jj = t * CRPT + (m >> 1)
        return jnp.logical_or((m & 1) == 0, jj < RREAL)

    def issue_loads(m, k):
        e0, c0, jj = eoff(m)
        pltpu.async_copy(dst_hbm.at[pl.ds(e0, ROW)], idx2.at[k], sem)
        pltpu.async_copy(
            codes_hbm.at[pl.ds(jj * ROW, ROW), pl.ds(c0, H2)],
            upd2.at[k], sem)

    def wait_loads(m, k):
        e0, c0, jj = eoff(m)
        pltpu.make_async_copy(
            dst_hbm.at[pl.ds(e0, ROW)], idx2.at[k], sem).wait()
        pltpu.make_async_copy(
            codes_hbm.at[pl.ds(jj * ROW, ROW), pl.ds(c0, H2)],
            upd2.at[k], sem).wait()

    def issue_scats(k):
        pltpu.async_copy(upd2.at[k], acc.at[idx2.at[k]], sem2, add=True)
        pltpu.async_copy(ones_v, deg.at[idx2.at[k]], sem2, add=True)

    def wait_scats(k):
        pltpu.make_async_copy(upd2.at[k], acc.at[idx2.at[k]], sem2).wait()
        pltpu.make_async_copy(ones_v, deg.at[idx2.at[k]], sem2).wait()

    @pl.when(isactive(0))
    def _():
        issue_loads(0, 0)

    @pl.when(isactive(1))
    def _():
        issue_loads(1, 1)

    def sloop(m, carry):
        k = lax.rem(m, 3)
        act = isactive(m)

        @pl.when(act)
        def _():
            wait_loads(m, k)
            remap(idx2.at[k])

        @pl.when(jnp.logical_and(m >= 1, isactive(m - 1)))
        def _():
            wait_scats(lax.rem(m + 2, 3))

        @pl.when(act)
        def _():
            issue_scats(k)

        @pl.when(jnp.logical_and(m + 2 < M, isactive(m + 2)))
        def _():
            issue_loads(m + 2, lax.rem(m + 2, 3))
        return carry

    lax.fori_loop(0, M, sloop, 0)

    @pl.when(isactive(M - 1))
    def _():
        wait_scats(lax.rem(M - 1, 3))
    plsc.subcore_barrier()

    def dchunk(i, carry):
        cs = jnp.minimum(t * TSTRIDE + i * CB, HALF - CB)
        pltpu.sync_copy(acc.at[pl.ds(cs, CB)], obuf)
        pltpu.sync_copy(deg.at[pl.ds(cs, CB)], degb)

        def drow(r, carry2):
            dvec = plsc.load_gather(degb, [jnp.full((16,), r, jnp.int32)])
            rec = 1.0 / jnp.maximum(dvec, 1.0)
            for g in range(4):
                obuf[r, pl.ds(g * 16, 16)] = obuf[r, pl.ds(g * 16, 16)] * rec
            return carry2
        lax.fori_loop(0, CB, drow, 0)
        pltpu.sync_copy(obuf, out_hbm.at[pl.ds(base + cs, CB)])
        return carry
    lax.fori_loop(0, DCH, dchunk, 0)


@jax.jit
def _scatter_call(codes, dstv):
    f = pl.kernel(
        _scatter_body,
        out_type=jax.ShapeDtypeStruct((N, H2), jnp.float32),
        mesh=plsc.VectorSubcoreMesh(core_axis_name="c", subcore_axis_name="s"),
        scratch_types=[
            pltpu.VMEM((3, ROW), jnp.int32),
            pltpu.VMEM((3, ROW, H2), jnp.float32),
            pltpu.VMEM((ROW,), jnp.float32),
            pltpu.VMEM((CB, H2), jnp.float32),
            pltpu.VMEM((CB,), jnp.float32),
            pltpu.VMEM_SHARED((ACC_ROWS, H2), jnp.float32),
            pltpu.VMEM_SHARED((ACC_ROWS,), jnp.float32),
            pltpu.SemaphoreType.DMA,
            pltpu.SemaphoreType.DMA,
        ],
        compiler_params=_SC_PARAMS,
    )
    return f(codes, dstv)


def kernel(pos, edge_index, batch, W1, b1, gamma, beta, W2, b2):
    srcv = edge_index[0]
    dstv = edge_index[1]
    pos16 = jnp.pad(pos, ((0, 0), (0, PW - 3)))
    posU = _gather_call(pos16, srcv, dstv)
    codes = _mlp_call(W1, b1, gamma, beta, W2, b2, posU)
    return _scatter_call(codes, dstv)

# --- scband reference (transcript-rebuilt; emitter-appended) ---
"""Pipeline reference for scband-relative-position-encoder-2147483648136 (READ-ONLY COPY).

The authoritative reference and input builder live on the scoring server;
editing this copy changes nothing except your own understanding.
"""

import jax, jax.numpy as jnp
import numpy as np

N = 50000
E = 800000
H = 128
H2 = H // 2

def setup_inputs(seed: int = 0) -> dict:
    key = jax.random.key(seed)
    ks = jax.random.split(key, 10)
    pos = jax.random.normal(ks[0], (N, 3), dtype=jnp.float32)
    edge_index = jax.random.randint(ks[1], (2, E), 0, N, dtype=jnp.int32)
    batch = jnp.sort(jax.random.randint(ks[2], (N,), 0, 16, dtype=jnp.int32))
    # spatial_encoder params: Linear(3, H2) -> LayerNorm(H2) -> GELU -> Dropout(eval=identity) -> Linear(H2, H2)
    W1 = jax.random.normal(ks[3], (3, H2), dtype=jnp.float32) * (1.0 / np.sqrt(3.0))
    b1 = jnp.zeros((H2,), dtype=jnp.float32)
    gamma = jnp.ones((H2,), dtype=jnp.float32)
    beta = jnp.zeros((H2,), dtype=jnp.float32)
    W2 = jax.random.normal(ks[4], (H2, H2), dtype=jnp.float32) * (1.0 / np.sqrt(H2))
    b2 = jnp.zeros((H2,), dtype=jnp.float32)
    return {"pos": pos, "edge_index": edge_index, "batch": batch,
            "W1": W1, "b1": b1, "gamma": gamma, "beta": beta, "W2": W2, "b2": b2}

def _layernorm(x, gamma, beta, eps=1e-5):
    mu = jnp.mean(x, axis=-1, keepdims=True)
    var = jnp.var(x, axis=-1, keepdims=True)
    return (x - mu) / jnp.sqrt(var + eps) * gamma + beta

def reference(pos, edge_index, batch, W1, b1, gamma, beta, W2, b2):
    num_nodes = pos.shape[0]
    src = edge_index[0]
    dst = edge_index[1]
    rel_pos = pos[dst] - pos[src]
    dist = jnp.linalg.norm(rel_pos, axis=1, keepdims=True)
    rel_pos_norm = rel_pos / (dist + 1e-6)
    h = rel_pos_norm @ W1 + b1
    h = _layernorm(h, gamma, beta)
    h = jax.nn.gelu(h, approximate=False)
    spatial_code = h @ W2 + b2
    # scatter-add per-edge spatial codes into destination nodes (replaces python loop)
    position_embeddings = jnp.zeros((num_nodes, spatial_code.shape[1]), dtype=spatial_code.dtype).at[dst].add(spatial_code)
    node_degrees = jnp.zeros((num_nodes,), dtype=jnp.float32).at[dst].add(1.0)
    node_degrees = jnp.maximum(node_degrees, 1.0)
    position_embeddings = position_embeddings / node_degrees[:, None]
    return position_embeddings

if __name__ == "__main__":
    import jax
    _d = setup_inputs()
    print(jax.jit(kernel)(*tuple(_d.values())))

</pallas_src>

<mosaic_0001>
#map = affine_map<(d0, d1) -> (0, 0)>
#map1 = affine_map<(d0, d1) -> (0)>
module attributes {stable_mosaic.version = 14 : i64} {
  func.func @_gather_body(%arg0: i32, %arg1: i32, %arg2: memref<50000x16xf32, #tpu.memory_space<hbm>>, %arg3: memref<800000xi32, #tpu.memory_space<hbm>>, %arg4: memref<800000xi32, #tpu.memory_space<hbm>>, %arg5: memref<19200x128xf32, #tpu.memory_space<hbm>>, %arg6: memref<2x896xi32, #tpu.memory_space<vmem>>, %arg7: memref<2x896xi32, #tpu.memory_space<vmem>>, %arg8: memref<2x896x16xf32, #tpu.memory_space<vmem>>, %arg9: memref<2x896x16xf32, #tpu.memory_space<vmem>>, %arg10: memref<2x21x128xf32, #tpu.memory_space<vmem>>, %arg11: memref<50000x16xf32, #tpu.memory_space<vmem_shared>>, %arg12: memref<!tpu.dma_semaphore, #tpu.memory_space<semaphore_mem>>, %arg13: memref<!tpu.dma_semaphore, #tpu.memory_space<semaphore_mem>>) attributes {dimension_semantics = [#tpu.dimension_semantics<core_parallel>, #tpu.dimension_semantics<subcore_parallel>], iteration_bounds = array<i64: 2, 16>, scalar_prefetch = 0 : i64, scratch_operands = 8 : i64, tpu.core_type = #tpu.core_type<sc_vector_subcore>, window_params = [{transform_indices = #map}, {transform_indices = #map1}, {transform_indices = #map1}, {transform_indices = #map}]} {
    %mul3A = arith.constant 2 : i32
    %mul3A_0 = arith.muli %arg1, %mul3A : i32
    %add3A = arith.addi %mul3A_0, %arg0 : i32
    %iota3A = tpu.iota {dimensions = array<i32: 0>} : vector<16xi32>
    %mul3A_1 = arith.constant 3128 : i32
    %mul3A_2 = arith.muli %arg1, %mul3A_1 : i32
    %min3A = arith.constant 46872 : i32
    %min3A_3 = arith.minsi %mul3A_2, %min3A : i32
    "tpu.region"() ({
      %run_scoped3A = tpu.sem_alloc : memref<!tpu.dma_semaphore, #tpu.memory_space<semaphore_mem>>
      %dma_start3A_251 = arith.constant 0 : i32
      %dma_start3A_252 = tpu.memref_slice %arg11[%min3A_3, %dma_start3A_251] : memref<50000x16xf32, #tpu.memory_space<vmem_shared>> -> memref<3128x16xf32, #tpu.memory_space<vmem_shared>>
      %dma_start3A_253 = arith.constant 0 : i32
      %dma_start3A_254 = tpu.memref_slice %arg2[%min3A_3, %dma_start3A_253] : memref<50000x16xf32, #tpu.memory_space<hbm>> -> memref<3128x16xf32, #tpu.memory_space<hbm>>
      tpu.enqueue_dma source(%dma_start3A_254 : memref<3128x16xf32, #tpu.memory_space<hbm>>) target(%dma_start3A_252 : memref<3128x16xf32, #tpu.memory_space<vmem_shared>>) target_semaphore(%run_scoped3A : memref<!tpu.dma_semaphore, #tpu.memory_space<semaphore_mem>>)
      %dma_wait3A_255 = arith.constant 0 : i32
      %dma_wait3A_256 = tpu.memref_slice %arg11[%min3A_3, %dma_wait3A_255] : memref<50000x16xf32, #tpu.memory_space<vmem_shared>> -> memref<3128x16xf32, #tpu.memory_space<vmem_shared>>
      %dma_wait3A_257 = arith.constant 0 : i32
      %dma_wait3A_258 = tpu.memref_slice %arg2[%min3A_3, %dma_wait3A_257] : memref<50000x16xf32, #tpu.memory_space<hbm>> -> memref<3128x16xf32, #tpu.memory_space<hbm>>
      tpu.wait_dma2 semaphore(%run_scoped3A : memref<!tpu.dma_semaphore, #tpu.memory_space<semaphore_mem>>) src(%dma_wait3A_258 : memref<3128x16xf32, #tpu.memory_space<hbm>>) dst(%dma_wait3A_256 : memref<3128x16xf32, #tpu.memory_space<vmem_shared>>)
      tpu.yield
    }) : () -> ()
    %barrier3A = arith.constant 0 : index
    tpu.barrier barrier_id(%barrier3A)
    %mul3A_4 = arith.constant 196 : i32
    %mul3A_5 = arith.muli %add3A, %mul3A_4 : i32
    %min3A_6 = arith.constant 6054 : i32
    %min3A_7 = arith.minsi %mul3A_5, %min3A_6 : i32
    %add3A_8 = arith.constant 0 : i32
    %add3A_9 = arith.addi %min3A_7, %add3A_8 : i32
    %mul3A_10 = arith.constant 128 : i32
    %mul3A_11 = arith.muli %add3A_9, %mul3A_10 : i32
    %dma_start3A = arith.constant 0 : i32
    %dma_start3A_12 = arith.constant 0 : i32
    %dma_start3A_13 = tpu.memref_slice %arg6[%dma_start3A, %dma_start3A_12] : memref<2x896xi32, #tpu.memory_space<vmem>> -> memref<1x896xi32, #tpu.memory_space<vmem>>
    %dma_start3A_14 = tpu.memref_squeeze %dma_start3A_13 : memref<1x896xi32, #tpu.memory_space<vmem>> -> memref<896xi32, #tpu.memory_space<vmem>>
    %dma_start3A_15 = tpu.memref_slice %arg3[%mul3A_11] : memref<800000xi32, #tpu.memory_space<hbm>> -> memref<896xi32, #tpu.memory_space<hbm>>
    %dma_start3A_16 = arith.constant 0 : i32
    %dma_start3A_17 = tpu.memref_slice %arg6[%dma_start3A, %dma_start3A_16] : memref<2x896xi32, #tpu.memory_space<vmem>> -> memref<1x896xi32, #tpu.memory_space<vmem>>
    %dma_start3A_18 = tpu.memref_squeeze %dma_start3A_17 : memref<1x896xi32, #tpu.memory_space<vmem>> -> memref<896xi32, #tpu.memory_space<vmem>>
    %dma_start3A_19 = tpu.memref_slice %arg3[%mul3A_11] : memref<800000xi32, #tpu.memory_space<hbm>> -> memref<896xi32, #tpu.memory_space<hbm>>
    tpu.enqueue_dma source(%dma_start3A_19 : memref<896xi32, #tpu.memory_space<hbm>>) target(%dma_start3A_18 : memref<896xi32, #tpu.memory_space<vmem>>) target_semaphore(%arg12 : memref<!tpu.dma_semaphore, #tpu.memory_space<semaphore_mem>>)
    %mul3A_20 = arith.constant 128 : i32
    %mul3A_21 = arith.muli %add3A_9, %mul3A_20 : i32
    %dma_start3A_22 = arith.constant 0 : i32
    %dma_start3A_23 = arith.constant 0 : i32
    %dma_start3A_24 = tpu.memref_slice %arg7[%dma_start3A_22, %dma_start3A_23] : memref<2x896xi32, #tpu.memory_space<vmem>> -> memref<1x896xi32, #tpu.memory_space<vmem>>
    %dma_start3A_25 = tpu.memref_squeeze %dma_start3A_24 : memref<1x896xi32, #tpu.memory_space<vmem>> -> memref<896xi32, #tpu.memory_space<vmem>>
    %dma_start3A_26 = tpu.memref_slice %arg4[%mul3A_21] : memref<800000xi32, #tpu.memory_space<hbm>> -> memref<896xi32, #tpu.memory_space<hbm>>
    %dma_start3A_27 = arith.constant 0 : i32
    %dma_start3A_28 = tpu.memref_slice %arg7[%dma_start3A_22, %dma_start3A_27] : memref<2x896xi32, #tpu.memory_space<vmem>> -> memref<1x896xi32, #tpu.memory_space<vmem>>
    %dma_start3A_29 = tpu.memref_squeeze %dma_start3A_28 : memref<1x896xi32, #tpu.memory_space<vmem>> -> memref<896xi32, #tpu.memory_space<vmem>>
    %dma_start3A_30 = tpu.memref_slice %arg4[%mul3A_21] : memref<800000xi32, #tpu.memory_space<hbm>> -> memref<896xi32, #tpu.memory_space<hbm>>
    tpu.enqueue_dma source(%dma_start3A_30 : memref<896xi32, #tpu.memory_space<hbm>>) target(%dma_start3A_29 : memref<896xi32, #tpu.memory_space<vmem>>) target_semaphore(%arg12 : memref<!tpu.dma_semaphore, #tpu.memory_space<semaphore_mem>>)
    %add3A_31 = arith.constant 0 : i32
    %add3A_32 = arith.addi %min3A_7, %add3A_31 : i32
    %mul3A_33 = arith.constant 128 : i32
    %mul3A_34 = arith.muli %add3A_32, %mul3A_33 : i32
    %dma_wait3A = arith.constant 0 : i32
    %dma_wait3A_35 = arith.constant 0 : i32
    %dma_wait3A_36 = tpu.memref_slice %arg6[%dma_wait3A, %dma_wait3A_35] : memref<2x896xi32, #tpu.memory_space<vmem>> -> memref<1x896xi32, #tpu.memory_space<vmem>>
    %dma_wait3A_37 = tpu.memref_squeeze %dma_wait3A_36 : memref<1x896xi32, #tpu.memory_space<vmem>> -> memref<896xi32, #tpu.memory_space<vmem>>
    %dma_wait3A_38 = tpu.memref_slice %arg3[%mul3A_34] : memref<800000xi32, #tpu.memory_space<hbm>> -> memref<896xi32, #tpu.memory_space<hbm>>
    %dma_wait3A_39 = arith.constant 0 : i32
    %dma_wait3A_40 = tpu.memref_slice %arg6[%dma_wait3A, %dma_wait3A_39] : memref<2x896xi32, #tpu.memory_space<vmem>> -> memref<1x896xi32, #tpu.memory_space<vmem>>
    %dma_wait3A_41 = tpu.memref_squeeze %dma_wait3A_40 : memref<1x896xi32, #tpu.memory_space<vmem>> -> memref<896xi32, #tpu.memory_space<vmem>>
    %dma_wait3A_42 = tpu.memref_slice %arg3[%mul3A_34] : memref<800000xi32, #tpu.memory_space<hbm>> -> memref<896xi32, #tpu.memory_space<hbm>>
    tpu.wait_dma2 semaphore(%arg12 : memref<!tpu.dma_semaphore, #tpu.memory_space<semaphore_mem>>) src(%dma_wait3A_42 : memref<896xi32, #tpu.memory_space<hbm>>) dst(%dma_wait3A_41 : memref<896xi32, #tpu.memory_space<vmem>>)
    %mul3A_43 = arith.constant 128 : i32
    %mul3A_44 = arith.muli %add3A_32, %mul3A_43 : i32
    %dma_wait3A_45 = arith.constant 0 : i32
    %dma_wait3A_46 = arith.constant 0 : i32
    %dma_wait3A_47 = tpu.memref_slice %arg7[%dma_wait3A_45, %dma_wait3A_46] : memref<2x896xi32, #tpu.memory_space<vmem>> -> memref<1x896xi32, #tpu.memory_space<vmem>>
    %dma_wait3A_48 = tpu.memref_squeeze %dma_wait3A_47 : memref<1x896xi32, #tpu.memory_space<vmem>> -> memref<896xi32, #tpu.memory_space<vmem>>
    %dma_wait3A_49 = tpu.memref_slice %arg4[%mul3A_44] : memref<800000xi32, #tpu.memory_space<hbm>> -> memref<896xi32, #tpu.memory_space<hbm>>
    %dma_wait3A_50 = arith.constant 0 : i32
    %dma_wait3A_51 = tpu.memref_slice %arg7[%dma_wait3A_45, %dma_wait3A_50] : memref<2x896xi32, #tpu.memory_space<vmem>> -> memref<1x896xi32, #tpu.memory_space<vmem>>
    %dma_wait3A_52 = tpu.memref_squeeze %dma_wait3A_51 : memref<1x896xi32, #tpu.memory_space<vmem>> -> memref<896xi32, #tpu.memory_space<vmem>>
    %dma_wait3A_53 = tpu.memref_slice %arg4[%mul3A_44] : memref<800000xi32, #tpu.memory_space<hbm>> -> memref<896xi32, #tpu.memory_space<hbm>>
    tpu.wait_dma2 semaphore(%arg12 : memref<!tpu.dma_semaphore, #tpu.memory_space<semaphore_mem>>) src(%dma_wait3A_53 : memref<896xi32, #tpu.memory_space<hbm>>) dst(%dma_wait3A_52 : memref<896xi32, #tpu.memory_space<vmem>>)
    %dma_start3A_54 = arith.constant 0 : i32
    %dma_start3A_55 = arith.constant 0 : i32
    %dma_start3A_56 = arith.constant 0 : i32
    %dma_start3A_57 = arith.constant 0 : i32
    %dma_start3A_58 = tpu.memref_slice %arg8[%dma_start3A_55, %dma_start3A_56, %dma_start3A_57] : memref<2x896x16xf32, #tpu.memory_space<vmem>> -> memref<1x128x16xf32, #tpu.memory_space<vmem>>
    %dma_start3A_59 = tpu.memref_squeeze %dma_start3A_58 : memref<1x128x16xf32, #tpu.memory_space<vmem>> -> memref<128x16xf32, #tpu.memory_space<vmem>>
    %dma_start3A_60 = arith.constant 0 : i32
    %dma_start3A_61 = tpu.memref_slice %arg6[%dma_start3A_54, %dma_start3A_60] : memref<2x896xi32, #tpu.memory_space<vmem>> -> memref<1x128xi32, #tpu.memory_space<vmem>>
    %dma_start3A_62 = tpu.memref_squeeze %dma_start3A_61 : memref<1x128xi32, #tpu.memory_space<vmem>> -> memref<128xi32, #tpu.memory_space<vmem>>
    %dma_start3A_63 = arith.constant 0 : i32
    %dma_start3A_64 = arith.constant 0 : i32
    %dma_start3A_65 = tpu.memref_slice %arg11[%dma_start3A_63, %dma_start3A_64] : memref<50000x16xf32, #tpu.memory_space<vmem_shared>> -> memref<50000x16xf32, #tpu.memory_space<vmem_shared>>
    tpu.enqueue_indirect_dma source(%dma_start3A_65 : memref<50000x16xf32, #tpu.memory_space<vmem_shared>>) target(%dma_start3A_59 : memref<128x16xf32, #tpu.memory_space<vmem>>) offsets(%dma_start3A_62 : memref<128xi32, #tpu.memory_space<vmem>>) semaphore(%arg13 : memref<!tpu.dma_semaphore, #tpu.memory_space<semaphore_mem>>)
    %dma_start3A_66 = arith.constant 0 : i32
    %dma_start3A_67 = arith.constant 0 : i32
    %dma_start3A_68 = arith.constant 0 : i32
    %dma_start3A_69 = arith.constant 0 : i32
    %dma_start3A_70 = tpu.memref_slice %arg9[%dma_start3A_67, %dma_start3A_68, %dma_start3A_69] : memref<2x896x16xf32, #tpu.memory_space<vmem>> -> memref<1x128x16xf32, #tpu.memory_space<vmem>>
    %dma_start3A_71 = tpu.memref_squeeze %dma_start3A_70 : memref<1x128x16xf32, #tpu.memory_space<vmem>> -> memref<128x16xf32, #tpu.memory_space<vmem>>
    %dma_start3A_72 = arith.constant 0 : i32
    %dma_start3A_73 = tpu.memref_slice %arg7[%dma_start3A_66, %dma_start3A_72] : memref<2x896xi32, #tpu.memory_space<vmem>> -> memref<1x128xi32, #tpu.memory_space<vmem>>
    %dma_start3A_74 = tpu.memref_squeeze %dma_start3A_73 : memref<1x128xi32, #tpu.memory_space<vmem>> -> memref<128xi32, #tpu.memory_space<vmem>>
    %dma_start3A_75 = arith.constant 0 : i32
    %dma_start3A_76 = arith.constant 0 : i32
    %dma_start3A_77 = tpu.memref_slice %arg11[%dma_start3A_75, %dma_start3A_76] : memref<50000x16xf32, #tpu.memory_space<vmem_shared>> -> memref<50000x16xf32, #tpu.memory_space<vmem_shared>>
    tpu.enqueue_indirect_dma source(%dma_start3A_77 : memref<50000x16xf32, #tpu.memory_space<vmem_shared>>) target(%dma_start3A_71 : memref<128x16xf32, #tpu.memory_space<vmem>>) offsets(%dma_start3A_74 : memref<128xi32, #tpu.memory_space<vmem>>) semaphore(%arg13 : memref<!tpu.dma_semaphore, #tpu.memory_space<semaphore_mem>>)
    %dma_start3A_78 = arith.constant 0 : i32
    %dma_start3A_79 = arith.constant 0 : i32
    %dma_start3A_80 = arith.constant 128 : i32
    %dma_start3A_81 = arith.constant 0 : i32
    %dma_start3A_82 = tpu.memref_slice %arg8[%dma_start3A_79, %dma_start3A_80, %dma_start3A_81] : memref<2x896x16xf32, #tpu.memory_space<vmem>> -> memref<1x128x16xf32, #tpu.memory_space<vmem>>
    %dma_start3A_83 = tpu.memref_squeeze %dma_start3A_82 : memref<1x128x16xf32, #tpu.memory_space<vmem>> -> memref<128x16xf32, #tpu.memory_space<vmem>>
    %dma_start3A_84 = arith.constant 128 : i32
    %dma_start3A_85 = tpu.memref_slice %arg6[%dma_start3A_78, %dma_start3A_84] : memref<2x896xi32, #tpu.memory_space<vmem>> -> memref<1x128xi32, #tpu.memory_space<vmem>>
    %dma_start3A_86 = tpu.memref_squeeze %dma_start3A_85 : memref<1x128xi32, #tpu.memory_space<vmem>> -> memref<128xi32, #tpu.memory_space<vmem>>
    %dma_start3A_87 = arith.constant 0 : i32
    %dma_start3A_88 = arith.constant 0 : i32
    %dma_start3A_89 = tpu.memref_slice %arg11[%dma_start3A_87, %dma_start3A_88] : memref<50000x16xf32, #tpu.memory_space<vmem_shared>> -> memref<50000x16xf32, #tpu.memory_space<vmem_shared>>
    tpu.enqueue_indirect_dma source(%dma_start3A_89 : memref<50000x16xf32, #tpu.memory_space<vmem_shared>>) target(%dma_start3A_83 : memref<128x16xf32, #tpu.memory_space<vmem>>) offsets(%dma_start3A_86 : memref<128xi32, #tpu.memory_space<vmem>>) semaphore(%arg13 : memref<!tpu.dma_semaphore, #tpu.memory_space<semaphore_mem>>)
    %dma_start3A_90 = arith.constant 0 : i32
    %dma_start3A_91 = arith.constant 0 : i32
    %dma_start3A_92 = arith.constant 128 : i32
    %dma_start3A_93 = arith.constant 0 : i32
    %dma_start3A_94 = tpu.memref_slice %arg9[%dma_start3A_91, %dma_start3A_92, %dma_start3A_93] : memref<2x896x16xf32, #tpu.memory_space<vmem>> -> memref<1x128x16xf32, #tpu.memory_space<vmem>>
    %dma_start3A_95 = tpu.memref_squeeze %dma_start3A_94 : memref<1x128x16xf32, #tpu.memory_space<vmem>> -> memref<128x16xf32, #tpu.memory_space<vmem>>
    %dma_start3A_96 = arith.constant 128 : i32
    %dma_start3A_97 = tpu.memref_slice %arg7[%dma_start3A_90, %dma_start3A_96] : memref<2x896xi32, #tpu.memory_space<vmem>> -> memref<1x128xi32, #tpu.memory_space<vmem>>
    %dma_start3A_98 = tpu.memref_squeeze %dma_start3A_97 : memref<1x128xi32, #tpu.memory_space<vmem>> -> memref<128xi32, #tpu.memory_space<vmem>>
    %dma_start3A_99 = arith.constant 0 : i32
    %dma_start3A_100 = arith.constant 0 : i32
    %dma_start3A_101 = tpu.memref_slice %arg11[%dma_start3A_99, %dma_start3A_100] : memref<50000x16xf32, #tpu.memory_space<vmem_shared>> -> memref<50000x16xf32, #tpu.memory_space<vmem_shared>>
    tpu.enqueue_indirect_dma source(%dma_start3A_101 : memref<50000x16xf32, #tpu.memory_space<vmem_shared>>) target(%dma_start3A_95 : memref<128x16xf32, #tpu.memory_space<vmem>>) offsets(%dma_start3A_98 : memref<128xi32, #tpu.memory_space<vmem>>) semaphore(%arg13 : memref<!tpu.dma_semaphore, #tpu.memory_space<semaphore_mem>>)
    %dma_start3A_102 = arith.constant 0 : i32
    %dma_start3A_103 = arith.constant 0 : i32
    %dma_start3A_104 = arith.constant 256 : i32
    %dma_start3A_105 = arith.constant 0 : i32
    %dma_start3A_106 = tpu.memref_slice %arg8[%dma_start3A_103, %dma_start3A_104, %dma_start3A_105] : memref<2x896x16xf32, #tpu.memory_space<vmem>> -> memref<1x128x16xf32, #tpu.memory_space<vmem>>
    %dma_start3A_107 = tpu.memref_squeeze %dma_start3A_106 : memref<1x128x16xf32, #tpu.memory_space<vmem>> -> memref<128x16xf32, #tpu.memory_space<vmem>>
    %dma_start3A_108 = arith.constant 256 : i32
    %dma_start3A_109 = tpu.memref_slice %arg6[%dma_start3A_102, %dma_start3A_108] : memref<2x896xi32, #tpu.memory_space<vmem>> -> memref<1x128xi32, #tpu.memory_space<vmem>>
    %dma_start3A_110 = tpu.memref_squeeze %dma_start3A_109 : memref<1x128xi32, #tpu.memory_space<vmem>> -> memref<128xi32, #tpu.memory_space<vmem>>
    %dma_start3A_111 = arith.constant 0 : i32
    %dma_start3A_112 = arith.constant 0 : i32
    %dma_start3A_113 = tpu.memref_slice %arg11[%dma_start3A_111, %dma_start3A_112] : memref<50000x16xf32, #tpu.memory_space<vmem_shared>> -> memref<50000x16xf32, #tpu.memory_space<vmem_shared>>
    tpu.enqueue_indirect_dma source(%dma_start3A_113 : memref<50000x16xf32, #tpu.memory_space<vmem_shared>>) target(%dma_start3A_107 : memref<128x16xf32, #tpu.memory_space<vmem>>) offsets(%dma_start3A_110 : memref<128xi32, #tpu.memory_space<vmem>>) semaphore(%arg13 : memref<!tpu.dma_semaphore, #tpu.memory_space<semaphore_mem>>)
    %dma_start3A_114 = arith.constant 0 : i32
    %dma_start3A_115 = arith.constant 0 : i32
    %dma_start3A_116 = arith.constant 256 : i32
    %dma_start3A_117 = arith.constant 0 : i32
    %dma_start3A_118 = tpu.memref_slice %arg9[%dma_start3A_115, %dma_start3A_116, %dma_start3A_117] : memref<2x896x16xf32, #tpu.memory_space<vmem>> -> memref<1x128x16xf32, #tpu.memory_space<vmem>>
    %dma_start3A_119 = tpu.memref_squeeze %dma_start3A_118 : memref<1x128x16xf32, #tpu.memory_space<vmem>> -> memref<128x16xf32, #tpu.memory_space<vmem>>
    %dma_start3A_120 = arith.constant 256 : i32
    %dma_start3A_121 = tpu.memref_slice %arg7[%dma_start3A_114, %dma_start3A_120] : memref<2x896xi32, #tpu.memory_space<vmem>> -> memref<1x128xi32, #tpu.memory_space<vmem>>
    %dma_start3A_122 = tpu.memref_squeeze %dma_start3A_121 : memref<1x128xi32, #tpu.memory_space<vmem>> -> memref<128xi32, #tpu.memory_space<vmem>>
    %dma_start3A_123 = arith.constant 0 : i32
    %dma_start3A_124 = arith.constant 0 : i32
    %dma_start3A_125 = tpu.memref_slice %arg11[%dma_start3A_123, %dma_start3A_124] : memref<50000x16xf32, #tpu.memory_space<vmem_shared>> -> memref<50000x16xf32, #tpu.memory_space<vmem_shared>>
    tpu.enqueue_indirect_dma source(%dma_start3A_125 : memref<50000x16xf32, #tpu.memory_space<vmem_shared>>) target(%dma_start3A_119 : memref<128x16xf32, #tpu.memory_space<vmem>>) offsets(%dma_start3A_122 : memref<128xi32, #tpu.memory_space<vmem>>) semaphore(%arg13 : memref<!tpu.dma_semaphore, #tpu.memory_space<semaphore_mem>>)
    %dma_start3A_126 = arith.constant 0 : i32
    %dma_start3A_127 = arith.constant 0 : i32
    %dma_start3A_128 = arith.constant 384 : i32
    %dma_start3A_129 = arith.constant 0 : i32
    %dma_start3A_130 = tpu.memref_slice %arg8[%dma_start3A_127, %dma_start3A_128, %dma_start3A_129] : memref<2x896x16xf32, #tpu.memory_space<vmem>> -> memref<1x128x16xf32, #tpu.memory_space<vmem>>
    %dma_start3A_131 = tpu.memref_squeeze %dma_start3A_130 : memref<1x128x16xf32, #tpu.memory_space<vmem>> -> memref<128x16xf32, #tpu.memory_space<vmem>>
    %dma_start3A_132 = arith.constant 384 : i32
    %dma_start3A_133 = tpu.memref_slice %arg6[%dma_start3A_126, %dma_start3A_132] : memref<2x896xi32, #tpu.memory_space<vmem>> -> memref<1x128xi32, #tpu.memory_space<vmem>>
    %dma_start3A_134 = tpu.memref_squeeze %dma_start3A_133 : memref<1x128xi32, #tpu.memory_space<vmem>> -> memref<128xi32, #tpu.memory_space<vmem>>
    %dma_start3A_135 = arith.constant 0 : i32
    %dma_start3A_136 = arith.constant 0 : i32
    %dma_start3A_137 = tpu.memref_slice %arg11[%dma_start3A_135, %dma_start3A_136] : memref<50000x16xf32, #tpu.memory_space<vmem_shared>> -> memref<50000x16xf32, #tpu.memory_space<vmem_shared>>
    tpu.enqueue_indirect_dma source(%dma_start3A_137 : memref<50000x16xf32, #tpu.memory_space<vmem_shared>>) target(%dma_start3A_131 : memref<128x16xf32, #tpu.memory_space<vmem>>) offsets(%dma_start3A_134 : memref<128xi32, #tpu.memory_space<vmem>>) semaphore(%arg13 : memref<!tpu.dma_semaphore, #tpu.memory_space<semaphore_mem>>)
    %dma_start3A_138 = arith.constant 0 : i32
    %dma_start3A_139 = arith.constant 0 : i32
    %dma_start3A_140 = arith.constant 384 : i32
    %dma_start3A_141 = arith.constant 0 : i32
    %dma_start3A_142 = tpu.memref_slice %arg9[%dma_start3A_139, %dma_start3A_140, %dma_start3A_141] : memref<2x896x16xf32, #tpu.memory_space<vmem>> -> memref<1x128x16xf32, #tpu.memory_space<vmem>>
    %dma_start3A_143 = tpu.memref_squeeze %dma_start3A_142 : memref<1x128x16xf32, #tpu.memory_space<vmem>> -> memref<128x16xf32, #tpu.memory_space<vmem>>
    %dma_start3A_144 = arith.constant 384 : i32
    %dma_start3A_145 = tpu.memref_slice %arg7[%dma_start3A_138, %dma_start3A_144] : memref<2x896xi32, #tpu.memory_space<vmem>> -> memref<1x128xi32, #tpu.memory_space<vmem>>
    %dma_start3A_146 = tpu.memref_squeeze %dma_start3A_145 : memref<1x128xi32, #tpu.memory_space<vmem>> -> memref<128xi32, #tpu.memory_space<vmem>>
    %dma_start3A_147 = arith.constant 0 : i32
    %dma_start3A_148 = arith.constant 0 : i32
    %dma_start3A_149 = tpu.memref_slice %arg11[%dma_start3A_147, %dma_start3A_148] : memref<50000x16xf32, #tpu.memory_space<vmem_shared>> -> memref<50000x16xf32, #tpu.memory_space<vmem_shared>>
    tpu.enqueue_indirect_dma source(%dma_start3A_149 : memref<50000x16xf32, #tpu.memory_space<vmem_shared>>) target(%dma_start3A_143 : memref<128x16xf32, #tpu.memory_space<vmem>>) offsets(%dma_start3A_146 : memref<128xi32, #tpu.memory_space<vmem>>) semaphore(%arg13 : memref<!tpu.dma_semaphore, #tpu.memory_space<semaphore_mem>>)
    %dma_start3A_150 = arith.constant 0 : i32
    %dma_start3A_151 = arith.constant 0 : i32
    %dma_start3A_152 = arith.constant 512 : i32
    %dma_start3A_153 = arith.constant 0 : i32
    %dma_start3A_154 = tpu.memref_slice %arg8[%dma_start3A_151, %dma_start3A_152, %dma_start3A_153] : memref<2x896x16xf32, #tpu.memory_space<vmem>> -> memref<1x128x16xf32, #tpu.memory_space<vmem>>
    %dma_start3A_155 = tpu.memref_squeeze %dma_start3A_154 : memref<1x128x16xf32, #tpu.memory_space<vmem>> -> memref<128x16xf32, #tpu.memory_space<vmem>>
    %dma_start3A_156 = arith.constant 512 : i32
    %dma_start3A_157 = tpu.memref_slice %arg6[%dma_start3A_150, %dma_start3A_156] : memref<2x896xi32, #tpu.memory_space<vmem>> -> memref<1x128xi32, #tpu.memory_space<vmem>>
    %dma_start3A_158 = tpu.memref_squeeze %dma_start3A_157 : memref<1x128xi32, #tpu.memory_space<vmem>> -> memref<128xi32, #tpu.memory_space<vmem>>
    %dma_start3A_159 = arith.constant 0 : i32
    %dma_start3A_160 = arith.constant 0 : i32
    %dma_start3A_161 = tpu.memref_slice %arg11[%dma_start3A_159, %dma_start3A_160] : memref<50000x16xf32, #tpu.memory_space<vmem_shared>> -> memref<50000x16xf32, #tpu.memory_space<vmem_shared>>
    tpu.enqueue_indirect_dma source(%dma_start3A_161 : memref<50000x16xf32, #tpu.memory_space<vmem_shared>>) target(%dma_start3A_155 : memref<128x16xf32, #tpu.memory_space<vmem>>) offsets(%dma_start3A_158 : memref<128xi32, #tpu.memory_space<vmem>>) semaphore(%arg13 : memref<!tpu.dma_semaphore, #tpu.memory_space<semaphore_mem>>)
    %dma_start3A_162 = arith.constant 0 : i32
    %dma_start3A_163 = arith.constant 0 : i32
    %dma_start3A_164 = arith.constant 512 : i32
    %dma_start3A_165 = arith.constant 0 : i32
    %dma_start3A_166 = tpu.memref_slice %arg9[%dma_start3A_163, %dma_start3A_164, %dma_start3A_165] : memref<2x896x16xf32, #tpu.memory_space<vmem>> -> memref<1x128x16xf32, #tpu.memory_space<vmem>>
    %dma_start3A_167 = tpu.memref_squeeze %dma_start3A_166 : memref<1x128x16xf32, #tpu.memory_space<vmem>> -> memref<128x16xf32, #tpu.memory_space<vmem>>
    %dma_start3A_168 = arith.constant 512 : i32
    %dma_start3A_169 = tpu.memref_slice %arg7[%dma_start3A_162, %dma_start3A_168] : memref<2x896xi32, #tpu.memory_space<vmem>> -> memref<1x128xi32, #tpu.memory_space<vmem>>
    %dma_start3A_170 = tpu.memref_squeeze %dma_start3A_169 : memref<1x128xi32, #tpu.memory_space<vmem>> -> memref<128xi32, #tpu.memory_space<vmem>>
    %dma_start3A_171 = arith.constant 0 : i32
    %dma_start3A_172 = arith.constant 0 : i32
    %dma_start3A_173 = tpu.memref_slice %arg11[%dma_start3A_171, %dma_start3A_172] : memref<50000x16xf32, #tpu.memory_space<vmem_shared>> -> memref<50000x16xf32, #tpu.memory_space<vmem_shared>>
    tpu.enqueue_indirect_dma source(%dma_start3A_173 : memref<50000x16xf32, #tpu.memory_space<vmem_shared>>) target(%dma_start3A_167 : memref<128x16xf32, #tpu.memory_space<vmem>>) offsets(%dma_start3A_170 : memref<128xi32, #tpu.memory_space<vmem>>) semaphore(%arg13 : memref<!tpu.dma_semaphore, #tpu.memory_space<semaphore_mem>>)
    %dma_start3A_174 = arith.constant 0 : i32
    %dma_start3A_175 = arith.constant 0 : i32
    %dma_start3A_176 = arith.constant 640 : i32
    %dma_start3A_177 = arith.constant 0 : i32
    %dma_start3A_178 = tpu.memref_slice %arg8[%dma_start3A_175, %dma_start3A_176, %dma_start3A_177] : memref<2x896x16xf32, #tpu.memory_space<vmem>> -> memref<1x128x16xf32, #tpu.memory_space<vmem>>
    %dma_start3A_179 = tpu.memref_squeeze %dma_start3A_178 : memref<1x128x16xf32, #tpu.memory_space<vmem>> -> memref<128x16xf32, #tpu.memory_space<vmem>>
    %dma_start3A_180 = arith.constant 640 : i32
    %dma_start3A_181 = tpu.memref_slice %arg6[%dma_start3A_174, %dma_start3A_180] : memref<2x896xi32, #tpu.memory_space<vmem>> -> memref<1x128xi32, #tpu.memory_space<vmem>>
    %dma_start3A_182 = tpu.memref_squeeze %dma_start3A_181 : memref<1x128xi32, #tpu.memory_space<vmem>> -> memref<128xi32, #tpu.memory_space<vmem>>
    %dma_start3A_183 = arith.constant 0 : i32
    %dma_start3A_184 = arith.constant 0 : i32
    %dma_start3A_185 = tpu.memref_slice %arg11[%dma_start3A_183, %dma_start3A_184] : memref<50000x16xf32, #tpu.memory_space<vmem_shared>> -> memref<50000x16xf32, #tpu.memory_space<vmem_shared>>
    tpu.enqueue_indirect_dma source(%dma_start3A_185 : memref<50000x16xf32, #tpu.memory_space<vmem_shared>>) target(%dma_start3A_179 : memref<128x16xf32, #tpu.memory_space<vmem>>) offsets(%dma_start3A_182 : memref<128xi32, #tpu.memory_space<vmem>>) semaphore(%arg13 : memref<!tpu.dma_semaphore, #tpu.memory_space<semaphore_mem>>)
    %dma_start3A_186 = arith.constant 0 : i32
    %dma_start3A_187 = arith.constant 0 : i32
    %dma_start3A_188 = arith.constant 640 : i32
    %dma_start3A_189 = arith.constant 0 : i32
    %dma_start3A_190 = tpu.memref_slice %arg9[%dma_start3A_187, %dma_start3A_188, %dma_start3A_189] : memref<2x896x16xf32, #tpu.memory_space<vmem>> -> memref<1x128x16xf32, #tpu.memory_space<vmem>>
    %dma_start3A_191 = tpu.memref_squeeze %dma_start3A_190 : memref<1x128x16xf32, #tpu.memory_space<vmem>> -> memref<128x16xf32, #tpu.memory_space<vmem>>
    %dma_start3A_192 = arith.constant 640 : i32
    %dma_start3A_193 = tpu.memref_slice %arg7[%dma_start3A_186, %dma_start3A_192] : memref<2x896xi32, #tpu.memory_space<vmem>> -> memref<1x128xi32, #tpu.memory_space<vmem>>
    %dma_start3A_194 = tpu.memref_squeeze %dma_start3A_193 : memref<1x128xi32, #tpu.memory_space<vmem>> -> memref<128xi32, #tpu.memory_space<vmem>>
    %dma_start3A_195 = arith.constant 0 : i32
    %dma_start3A_196 = arith.constant 0 : i32
    %dma_start3A_197 = tpu.memref_slice %arg11[%dma_start3A_195, %dma_start3A_196] : memref<50000x16xf32, #tpu.memory_space<vmem_shared>> -> memref<50000x16xf32, #tpu.memory_space<vmem_shared>>
    tpu.enqueue_indirect_dma source(%dma_start3A_197 : memref<50000x16xf32, #tpu.memory_space<vmem_shared>>) target(%dma_start3A_191 : memref<128x16xf32, #tpu.memory_space<vmem>>) offsets(%dma_start3A_194 : memref<128xi32, #tpu.memory_space<vmem>>) semaphore(%arg13 : memref<!tpu.dma_semaphore, #tpu.memory_space<semaphore_mem>>)
    %dma_start3A_198 = arith.constant 0 : i32
    %dma_start3A_199 = arith.constant 0 : i32
    %dma_start3A_200 = arith.constant 768 : i32
    %dma_start3A_201 = arith.constant 0 : i32
    %dma_start3A_202 = tpu.memref_slice %arg8[%dma_start3A_199, %dma_start3A_200, %dma_start3A_201] : memref<2x896x16xf32, #tpu.memory_space<vmem>> -> memref<1x128x16xf32, #tpu.memory_space<vmem>>
    %dma_start3A_203 = tpu.memref_squeeze %dma_start3A_202 : memref<1x128x16xf32, #tpu.memory_space<vmem>> -> memref<128x16xf32, #tpu.memory_space<vmem>>
    %dma_start3A_204 = arith.constant 768 : i32
    %dma_start3A_205 = tpu.memref_slice %arg6[%dma_start3A_198, %dma_start3A_204] : memref<2x896xi32, #tpu.memory_space<vmem>> -> memref<1x128xi32, #tpu.memory_space<vmem>>
    %dma_start3A_206 = tpu.memref_squeeze %dma_start3A_205 : memref<1x128xi32, #tpu.memory_space<vmem>> -> memref<128xi32, #tpu.memory_space<vmem>>
    %dma_start3A_207 = arith.constant 0 : i32
    %dma_start3A_208 = arith.constant 0 : i32
    %dma_start3A_209 = tpu.memref_slice %arg11[%dma_start3A_207, %dma_start3A_208] : memref<50000x16xf32, #tpu.memory_space<vmem_shared>> -> memref<50000x16xf32, #tpu.memory_space<vmem_shared>>
    tpu.enqueue_indirect_dma source(%dma_start3A_209 : memref<50000x16xf32, #tpu.memory_space<vmem_shared>>) target(%dma_start3A_203 : memref<128x16xf32, #tpu.memory_space<vmem>>) offsets(%dma_start3A_206 : memref<128xi32, #tpu.memory_space<vmem>>) semaphore(%arg13 : memref<!tpu.dma_semaphore, #tpu.memory_space<semaphore_mem>>)
    %dma_start3A_210 = arith.constant 0 : i32
    %dma_start3A_211 = arith.constant 0 : i32
    %dma_start3A_212 = arith.constant 768 : i32
    %dma_start3A_213 = arith.constant 0 : i32
    %dma_start3A_214 = tpu.memref_slice %arg9[%dma_start3A_211, %dma_start3A_212, %dma_start3A_213] : memref<2x896x16xf32, #tpu.memory_space<vmem>> -> memref<1x128x16xf32, #tpu.memory_space<vmem>>
    %dma_start3A_215 = tpu.memref_squeeze %dma_start3A_214 : memref<1x128x16xf32, #tpu.memory_space<vmem>> -> memref<128x16xf32, #tpu.memory_space<vmem>>
    %dma_start3A_216 = arith.constant 768 : i32
    %dma_start3A_217 = tpu.memref_slice %arg7[%dma_start3A_210, %dma_start3A_216] : memref<2x896xi32, #tpu.memory_space<vmem>> -> memref<1x128xi32, #tpu.memory_space<vmem>>
    %dma_start3A_218 = tpu.memref_squeeze %dma_start3A_217 : memref<1x128xi32, #tpu.memory_space<vmem>> -> memref<128xi32, #tpu.memory_space<vmem>>
    %dma_start3A_219 = arith.constant 0 : i32
    %dma_start3A_220 = arith.constant 0 : i32
    %dma_start3A_221 = tpu.memref_slice %arg11[%dma_start3A_219, %dma_start3A_220] : memref<50000x16xf32, #tpu.memory_space<vmem_shared>> -> memref<50000x16xf32, #tpu.memory_space<vmem_shared>>
    tpu.enqueue_indirect_dma source(%dma_start3A_221 : memref<50000x16xf32, #tpu.memory_space<vmem_shared>>) target(%dma_start3A_215 : memref<128x16xf32, #tpu.memory_space<vmem>>) offsets(%dma_start3A_218 : memref<128xi32, #tpu.memory_space<vmem>>) semaphore(%arg13 : memref<!tpu.dma_semaphore, #tpu.memory_space<semaphore_mem>>)
    %add3A_222 = arith.constant 7 : i32
    %add3A_223 = arith.addi %min3A_7, %add3A_222 : i32
    %mul3A_224 = arith.constant 128 : i32
    %mul3A_225 = arith.muli %add3A_223, %mul3A_224 : i32
    %dma_start3A_226 = arith.constant 1 : i32
    %dma_start3A_227 = arith.constant 0 : i32
    %dma_start3A_228 = tpu.memref_slice %arg6[%dma_start3A_226, %dma_start3A_227] : memref<2x896xi32, #tpu.memory_space<vmem>> -> memref<1x896xi32, #tpu.memory_space<vmem>>
    %dma_start3A_229 = tpu.memref_squeeze %dma_start3A_228 : memref<1x896xi32, #tpu.memory_space<vmem>> -> memref<896xi32, #tpu.memory_space<vmem>>
    %dma_start3A_230 = tpu.memref_slice %arg3[%mul3A_225] : memref<800000xi32, #tpu.memory_space<hbm>> -> memref<896xi32, #tpu.memory_space<hbm>>
    %dma_start3A_231 = arith.constant 0 : i32
    %dma_start3A_232 = tpu.memref_slice %arg6[%dma_start3A_226, %dma_start3A_231] : memref<2x896xi32, #tpu.memory_space<vmem>> -> memref<1x896xi32, #tpu.memory_space<vmem>>
    %dma_start3A_233 = tpu.memref_squeeze %dma_start3A_232 : memref<1x896xi32, #tpu.memory_space<vmem>> -> memref<896xi32, #tpu.memory_space<vmem>>
    %dma_start3A_234 = tpu.memref_slice %arg3[%mul3A_225] : memref<800000xi32, #tpu.memory_space<hbm>> -> memref<896xi32, #tpu.memory_space<hbm>>
    tpu.enqueue_dma source(%dma_start3A_234 : memref<896xi32, #tpu.memory_space<hbm>>) target(%dma_start3A_233 : memref<896xi32, #tpu.memory_space<vmem>>) target_semaphore(%arg12 : memref<!tpu.dma_semaphore, #tpu.memory_space<semaphore_mem>>)
    %mul3A_235 = arith.constant 128 : i32
    %mul3A_236 = arith.muli %add3A_223, %mul3A_235 : i32
    %dma_start3A_237 = arith.constant 1 : i32
    %dma_start3A_238 = arith.constant 0 : i32
    %dma_start3A_239 = tpu.memref_slice %arg7[%dma_start3A_237, %dma_start3A_238] : memref<2x896xi32, #tpu.memory_space<vmem>> -> memref<1x896xi32, #tpu.memory_space<vmem>>
    %dma_start3A_240 = tpu.memref_squeeze %dma_start3A_239 : memref<1x896xi32, #tpu.memory_space<vmem>> -> memref<896xi32, #tpu.memory_space<vmem>>
    %dma_start3A_241 = tpu.memref_slice %arg4[%mul3A_236] : memref<800000xi32, #tpu.memory_space<hbm>> -> memref<896xi32, #tpu.memory_space<hbm>>
    %dma_start3A_242 = arith.constant 0 : i32
    %dma_start3A_243 = tpu.memref_slice %arg7[%dma_start3A_237, %dma_start3A_242] : memref<2x896xi32, #tpu.memory_space<vmem>> -> memref<1x896xi32, #tpu.memory_space<vmem>>
    %dma_start3A_244 = tpu.memref_squeeze %dma_start3A_243 : memref<1x896xi32, #tpu.memory_space<vmem>> -> memref<896xi32, #tpu.memory_space<vmem>>
    %dma_start3A_245 = tpu.memref_slice %arg4[%mul3A_236] : memref<800000xi32, #tpu.memory_space<hbm>> -> memref<896xi32, #tpu.memory_space<hbm>>
    tpu.enqueue_dma source(%dma_start3A_245 : memref<896xi32, #tpu.memory_space<hbm>>) target(%dma_start3A_244 : memref<896xi32, #tpu.memory_space<vmem>>) target_semaphore(%arg12 : memref<!tpu.dma_semaphore, #tpu.memory_space<semaphore_mem>>)
    %scan3A = arith.constant 0 : i32
    %scan3A_246 = arith.constant 0 : i32
    %scan3A_247 = arith.constant 28 : i32
    %scan3A_248 = arith.addi %scan3A_246, %scan3A_247 : i32
    %scan3A_249 = arith.constant 1 : i32
    scf.for %scan3A_251 = %scan3A_246 to %scan3A_248 step %scan3A_249  : i32 {
      %rem3A = arith.constant 2 : i32
      %rem3A_252 = arith.remsi %scan3A_251, %rem3A : i32
      %add3A_253 = arith.constant 1 : i32
      %add3A_254 = arith.addi %scan3A_251, %add3A_253 : i32
      %rem3A_255 = arith.constant 2 : i32
      %rem3A_256 = arith.remsi %add3A_254, %rem3A_255 : i32
      %add3A_257 = arith.constant 1 : i32
      %add3A_258 = arith.addi %scan3A_251, %add3A_257 : i32
      %lt3A = arith.constant 28 : i32
      %lt3A_259 = arith.cmpi slt, %add3A_258, %lt3A : i32
      %convert_element_type3A = arith.extui %lt3A_259 : i1 to i32
      %cond3A = arith.constant 0 : i32
      %cond3A_260 = arith.cmpi ne, %convert_element_type3A, %cond3A : i32
      scf.if %cond3A_260 {
        %add3A_419 = arith.constant 1 : i32
        %add3A_420 = arith.addi %scan3A_251, %add3A_419 : i32
        %mul3A_421 = arith.constant 7 : i32
        %mul3A_422 = arith.muli %add3A_420, %mul3A_421 : i32
        %add3A_423 = arith.addi %min3A_7, %mul3A_422 : i32
        %mul3A_424 = arith.constant 128 : i32
        %mul3A_425 = arith.muli %add3A_423, %mul3A_424 : i32
        %dma_wait3A_426 = arith.constant 0 : i32
        %dma_wait3A_427 = tpu.memref_slice %arg6[%rem3A_256, %dma_wait3A_426] : memref<2x896xi32, #tpu.memory_space<vmem>> -> memref<1x896xi32, #tpu.memory_space<vmem>>
        %dma_wait3A_428 = tpu.memref_squeeze %dma_wait3A_427 : memref<1x896xi32, #tpu.memory_space<vmem>> -> memref<896xi32, #tpu.memory_space<vmem>>
        %dma_wait3A_429 = tpu.memref_slice %arg3[%mul3A_425] : memref<800000xi32, #tpu.memory_space<hbm>> -> memref<896xi32, #tpu.memory_space<hbm>>
        %dma_wait3A_430 = arith.constant 0 : i32
        %dma_wait3A_431 = tpu.memref_slice %arg6[%rem3A_256, %dma_wait3A_430] : memref<2x896xi32, #tpu.memory_space<vmem>> -> memref<1x896xi32, #tpu.memory_space<vmem>>
        %dma_wait3A_432 = tpu.memref_squeeze %dma_wait3A_431 : memref<1x896xi32, #tpu.memory_space<vmem>> -> memref<896xi32, #tpu.memory_space<vmem>>
        %dma_wait3A_433 = tpu.memref_slice %arg3[%mul3A_425] : memref<800000xi32, #tpu.memory_space<hbm>> -> memref<896xi32, #tpu.memory_space<hbm>>
        tpu.wait_dma2 semaphore(%arg12 : memref<!tpu.dma_semaphore, #tpu.memory_space<semaphore_mem>>) src(%dma_wait3A_433 : memref<896xi32, #tpu.memory_space<hbm>>) dst(%dma_wait3A_432 : memref<896xi32, #tpu.memory_space<vmem>>)
        %mul3A_434 = arith.constant 128 : i32
        %mul3A_435 = arith.muli %add3A_423, %mul3A_434 : i32
        %dma_wait3A_436 = arith.constant 0 : i32
        %dma_wait3A_437 = tpu.memref_slice %arg7[%rem3A_256, %dma_wait3A_436] : memref<2x896xi32, #tpu.memory_space<vmem>> -> memref<1x896xi32, #tpu.memory_space<vmem>>
        %dma_wait3A_438 = tpu.memref_squeeze %dma_wait3A_437 : memref<1x896xi32, #tpu.memory_space<vmem>> -> memref<896xi32, #tpu.memory_space<vmem>>
        %dma_wait3A_439 = tpu.memref_slice %arg4[%mul3A_435] : memref<800000xi32, #tpu.memory_space<hbm>> -> memref<896xi32, #tpu.memory_space<hbm>>
        %dma_wait3A_440 = arith.constant 0 : i32
        %dma_wait3A_441 = tpu.memref_slice %arg7[%rem3A_256, %dma_wait3A_440] : memref<2x896xi32, #tpu.memory_space<vmem>> -> memref<1x896xi32, #tpu.memory_space<vmem>>
        %dma_wait3A_442 = tpu.memref_squeeze %dma_wait3A_441 : memref<1x896xi32, #tpu.memory_space<vmem>> -> memref<896xi32, #tpu.memory_space<vmem>>
        %dma_wait3A_443 = tpu.memref_slice %arg4[%mul3A_435] : memref<800000xi32, #tpu.memory_space<hbm>> -> memref<896xi32, #tpu.memory_space<hbm>>
        tpu.wait_dma2 semaphore(%arg12 : memref<!tpu.dma_semaphore, #tpu.memory_space<semaphore_mem>>) src(%dma_wait3A_443 : memref<896xi32, #tpu.memory_space<hbm>>) dst(%dma_wait3A_442 : memref<896xi32, #tpu.memory_space<vmem>>)
        %dma_start3A_444 = arith.constant 0 : i32
        %dma_start3A_445 = arith.constant 0 : i32
        %dma_start3A_446 = tpu.memref_slice %arg8[%rem3A_256, %dma_start3A_444, %dma_start3A_445] : memref<2x896x16xf32, #tpu.memory_space<vmem>> -> memref<1x128x16xf32, #tpu.memory_space<vmem>>
        %dma_start3A_447 = tpu.memref_squeeze %dma_start3A_446 : memref<1x128x16xf32, #tpu.memory_space<vmem>> -> memref<128x16xf32, #tpu.memory_space<vmem>>
        %dma_start3A_448 = arith.constant 0 : i32
        %dma_start3A_449 = tpu.memref_slice %arg6[%rem3A_256, %dma_start3A_448] : memref<2x896xi32, #tpu.memory_space<vmem>> -> memref<1x128xi32, #tpu.memory_space<vmem>>
        %dma_start3A_450 = tpu.memref_squeeze %dma_start3A_449 : memref<1x128xi32, #tpu.memory_space<vmem>> -> memref<128xi32, #tpu.memory_space<vmem>>
        %dma_start3A_451 = arith.constant 0 : i32
        %dma_start3A_452 = arith.constant 0 : i32
        %dma_start3A_453 = tpu.memref_slice %arg11[%dma_start3A_451, %dma_start3A_452] : memref<50000x16xf32, #tpu.memory_space<vmem_shared>> -> memref<50000x16xf32, #tpu.memory_space<vmem_shared>>
        tpu.enqueue_indirect_dma source(%dma_start3A_453 : memref<50000x16xf32, #tpu.memory_space<vmem_shared>>) target(%dma_start3A_447 : memref<128x16xf32, #tpu.memory_space<vmem>>) offsets(%dma_start3A_450 : memref<128xi32, #tpu.memory_space<vmem>>) semaphore(%arg13 : memref<!tpu.dma_semaphore, #tpu.memory_space<semaphore_mem>>)
        %dma_start3A_454 = arith.constant 0 : i32
        %dma_start3A_455 = arith.constant 0 : i32
        %dma_start3A_456 = tpu.memref_slice %arg9[%rem3A_256, %dma_start3A_454, %dma_start3A_455] : memref<2x896x16xf32, #tpu.memory_space<vmem>> -> memref<1x128x16xf32, #tpu.memory_space<vmem>>
        %dma_start3A_457 = tpu.memref_squeeze %dma_start3A_456 : memref<1x128x16xf32, #tpu.memory_space<vmem>> -> memref<128x16xf32, #tpu.memory_space<vmem>>
        %dma_start3A_458 = arith.constant 0 : i32
        %dma_start3A_459 = tpu.memref_slice %arg7[%rem3A_256, %dma_start3A_458] : memref<2x896xi32, #tpu.memory_space<vmem>> -> memref<1x128xi32, #tpu.memory_space<vmem>>
        %dma_start3A_460 = tpu.memref_squeeze %dma_start3A_459 : memref<1x128xi32, #tpu.memory_space<vmem>> -> memref<128xi32, #tpu.memory_space<vmem>>
        %dma_start3A_461 = arith.constant 0 : i32
        %dma_start3A_462 = arith.constant 0 : i32
        %dma_start3A_463 = tpu.memref_slice %arg11[%dma_start3A_461, %dma_start3A_462] : memref<50000x16xf32, #tpu.memory_space<vmem_shared>> -> memref<50000x16xf32, #tpu.memory_space<vmem_shared>>
        tpu.enqueue_indirect_dma source(%dma_start3A_463 : memref<50000x16xf32, #tpu.memory_space<vmem_shared>>) target(%dma_start3A_457 : memref<128x16xf32, #tpu.memory_space<vmem>>) offsets(%dma_start3A_460 : memref<128xi32, #tpu.memory_space<vmem>>) semaphore(%arg13 : memref<!tpu.dma_semaphore, #tpu.memory_space<semaphore_mem>>)
        %dma_start3A_464 = arith.constant 128 : i32
        %dma_start3A_465 = arith.constant 0 : i32
        %dma_start3A_466 = tpu.memref_slice %arg8[%rem3A_256, %dma_start3A_464, %dma_start3A_465] : memref<2x896x16xf32, #tpu.memory_space<vmem>> -> memref<1x128x16xf32, #tpu.memory_space<vmem>>
        %dma_start3A_467 = tpu.memref_squeeze %dma_start3A_466 : memref<1x128x16xf32, #tpu.memory_space<vmem>> -> memref<128x16xf32, #tpu.memory_space<vmem>>
        %dma_start3A_468 = arith.constant 128 : i32
        %dma_start3A_469 = tpu.memref_slice %arg6[%rem3A_256, %dma_start3A_468] : memref<2x896xi32, #tpu.memory_space<vmem>> -> memref<1x128xi32, #tpu.memory_space<vmem>>
        %dma_start3A_470 = tpu.memref_squeeze %dma_start3A_469 : memref<1x128xi32, #tpu.memory_space<vmem>> -> memref<128xi32, #tpu.memory_space<vmem>>
        %dma_start3A_471 = arith.constant 0 : i32
        %dma_start3A_472 = arith.constant 0 : i32
        %dma_start3A_473 = tpu.memref_slice %arg11[%dma_start3A_471, %dma_start3A_472] : memref<50000x16xf32, #tpu.memory_space<vmem_shared>> -> memref<50000x16xf32, #tpu.memory_space<vmem_shared>>
        tpu.enqueue_indirect_dma source(%dma_start3A_473 : memref<50000x16xf32, #tpu.memory_space<vmem_shared>>) target(%dma_start3A_467 : memref<128x16xf32, #tpu.memory_space<vmem>>) offsets(%dma_start3A_470 : memref<128xi32, #tpu.memory_space<vmem>>) semaphore(%arg13 : memref<!tpu.dma_semaphore, #tpu.memory_space<semaphore_mem>>)
        %dma_start3A_474 = arith.constant 128 : i32
        %dma_start3A_475 = arith.constant 0 : i32
        %dma_start3A_476 = tpu.memref_slice %arg9[%rem3A_256, %dma_start3A_474, %dma_start3A_475] : memref<2x896x16xf32, #tpu.memory_space<vmem>> -> memref<1x128x16xf32, #tpu.memory_space<vmem>>
        %dma_start3A_477 = tpu.memref_squeeze %dma_start3A_476 : memref<1x128x16xf32, #tpu.memory_space<vmem>> -> memref<128x16xf32, #tpu.memory_space<vmem>>
        %dma_start3A_478 = arith.constant 128 : i32
        %dma_start3A_479 = tpu.memref_slice %arg7[%rem3A_256, %dma_start3A_478] : memref<2x896xi32, #tpu.memory_space<vmem>> -> memref<1x128xi32, #tpu.memory_space<vmem>>
        %dma_start3A_480 = tpu.memref_squeeze %dma_start3A_479 : memref<1x128xi32, #tpu.memory_space<vmem>> -> memref<128xi32, #tpu.memory_space<vmem>>
        %dma_start3A_481 = arith.constant 0 : i32
        %dma_start3A_482 = arith.constant 0 : i32
        %dma_start3A_483 = tpu.memref_slice %arg11[%dma_start3A_481, %dma_start3A_482] : memref<50000x16xf32, #tpu.memory_space<vmem_shared>> -> memref<50000x16xf32, #tpu.memory_space<vmem_shared>>
        tpu.enqueue_indirect_dma source(%dma_start3A_483 : memref<50000x16xf32, #tpu.memory_space<vmem_shared>>) target(%dma_start3A_477 : memref<128x16xf32, #tpu.memory_space<vmem>>) offsets(%dma_start3A_480 : memref<128xi32, #tpu.memory_space<vmem>>) semaphore(%arg13 : memref<!tpu.dma_semaphore, #tpu.memory_space<semaphore_mem>>)
        %dma_start3A_484 = arith.constant 256 : i32
        %dma_start3A_485 = arith.constant 0 : i32
        %dma_start3A_486 = tpu.memref_slice %arg8[%rem3A_256, %dma_start3A_484, %dma_start3A_485] : memref<2x896x16xf32, #tpu.memory_space<vmem>> -> memref<1x128x16xf32, #tpu.memory_space<vmem>>
        %dma_start3A_487 = tpu.memref_squeeze %dma_start3A_486 : memref<1x128x16xf32, #tpu.memory_space<vmem>> -> memref<128x16xf32, #tpu.memory_space<vmem>>
        %dma_start3A_488 = arith.constant 256 : i32
        %dma_start3A_489 = tpu.memref_slice %arg6[%rem3A_256, %dma_start3A_488] : memref<2x896xi32, #tpu.memory_space<vmem>> -> memref<1x128xi32, #tpu.memory_space<vmem>>
        %dma_start3A_490 = tpu.memref_squeeze %dma_start3A_489 : memref<1x128xi32, #tpu.memory_space<vmem>> -> memref<128xi32, #tpu.memory_space<vmem>>
        %dma_start3A_491 = arith.constant 0 : i32
        %dma_start3A_492 = arith.constant 0 : i32
        %dma_start3A_493 = tpu.memref_slice %arg11[%dma_start3A_491, %dma_start3A_492] : memref<50000x16xf32, #tpu.memory_space<vmem_shared>> -> memref<50000x16xf32, #tpu.memory_space<vmem_shared>>
        tpu.enqueue_indirect_dma source(%dma_start3A_493 : memref<50000x16xf32, #tpu.memory_space<vmem_shared>>) target(%dma_start3A_487 : memref<128x16xf32, #tpu.memory_space<vmem>>) offsets(%dma_start3A_490 : memref<128xi32, #tpu.memory_space<vmem>>) semaphore(%arg13 : memref<!tpu.dma_semaphore, #tpu.memory_space<semaphore_mem>>)
        %dma_start3A_494 = arith.constant 256 : i32
        %dma_start3A_495 = arith.constant 0 : i32
        %dma_start3A_496 = tpu.memref_slice %arg9[%rem3A_256, %dma_start3A_494, %dma_start3A_495] : memref<2x896x16xf32, #tpu.memory_space<vmem>> -> memref<1x128x16xf32, #tpu.memory_space<vmem>>
        %dma_start3A_497 = tpu.memref_squeeze %dma_start3A_496 : memref<1x128x16xf32, #tpu.memory_space<vmem>> -> memref<128x16xf32, #tpu.memory_space<vmem>>
        %dma_start3A_498 = arith.constant 256 : i32
        %dma_start3A_499 = tpu.memref_slice %arg7[%rem3A_256, %dma_start3A_498] : memref<2x896xi32, #tpu.memory_space<vmem>> -> memref<1x128xi32, #tpu.memory_space<vmem>>
        %dma_start3A_500 = tpu.memref_squeeze %dma_start3A_499 : memref<1x128xi32, #tpu.memory_space<vmem>> -> memref<128xi32, #tpu.memory_space<vmem>>
        %dma_start3A_501 = arith.constant 0 : i32
        %dma_start3A_502 = arith.constant 0 : i32
        %dma_start3A_503 = tpu.memref_slice %arg11[%dma_start3A_501, %dma_start3A_502] : memref<50000x16xf32, #tpu.memory_space<vmem_shared>> -> memref<50000x16xf32, #tpu.memory_space<vmem_shared>>
        tpu.enqueue_indirect_dma source(%dma_start3A_503 : memref<50000x16xf32, #tpu.memory_space<vmem_shared>>) target(%dma_start3A_497 : memref<128x16xf32, #tpu.memory_space<vmem>>) offsets(%dma_start3A_500 : memref<128xi32, #tpu.memory_space<vmem>>) semaphore(%arg13 : memref<!tpu.dma_semaphore, #tpu.memory_space<semaphore_mem>>)
        %dma_start3A_504 = arith.constant 384 : i32
        %dma_start3A_505 = arith.constant 0 : i32
        %dma_start3A_506 = tpu.memref_slice %arg8[%rem3A_256, %dma_start3A_504, %dma_start3A_505] : memref<2x896x16xf32, #tpu.memory_space<vmem>> -> memref<1x128x16xf32, #tpu.memory_space<vmem>>
        %dma_start3A_507 = tpu.memref_squeeze %dma_start3A_506 : memref<1x128x16xf32, #tpu.memory_space<vmem>> -> memref<128x16xf32, #tpu.memory_space<vmem>>
        %dma_start3A_508 = arith.constant 384 : i32
        %dma_start3A_509 = tpu.memref_slice %arg6[%rem3A_256, %dma_start3A_508] : memref<2x896xi32, #tpu.memory_space<vmem>> -> memref<1x128xi32, #tpu.memory_space<vmem>>
        %dma_start3A_510 = tpu.memref_squeeze %dma_start3A_509 : memref<1x128xi32, #tpu.memory_space<vmem>> -> memref<128xi32, #tpu.memory_space<vmem>>
        %dma_start3A_511 = arith.constant 0 : i32
        %dma_start3A_512 = arith.constant 0 : i32
        %dma_start3A_513 = tpu.memref_slice %arg11[%dma_start3A_511, %dma_start3A_512] : memref<50000x16xf32, #tpu.memory_space<vmem_shared>> -> memref<50000x16xf32, #tpu.memory_space<vmem_shared>>
        tpu.enqueue_indirect_dma source(%dma_start3A_513 : memref<50000x16xf32, #tpu.memory_space<vmem_shared>>) target(%dma_start3A_507 : memref<128x16xf32, #tpu.memory_space<vmem>>) offsets(%dma_start3A_510 : memref<128xi32, #tpu.memory_space<vmem>>) semaphore(%arg13 : memref<!tpu.dma_semaphore, #tpu.memory_space<semaphore_mem>>)
        %dma_start3A_514 = arith.constant 384 : i32
        %dma_start3A_515 = arith.constant 0 : i32
        %dma_start3A_516 = tpu.memref_slice %arg9[%rem3A_256, %dma_start3A_514, %dma_start3A_515] : memref<2x896x16xf32, #tpu.memory_space<vmem>> -> memref<1x128x16xf32, #tpu.memory_space<vmem>>
        %dma_start3A_517 = tpu.memref_squeeze %dma_start3A_516 : memref<1x128x16xf32, #tpu.memory_space<vmem>> -> memref<128x16xf32, #tpu.memory_space<vmem>>
        %dma_start3A_518 = arith.constant 384 : i32
        %dma_start3A_519 = tpu.memref_slice %arg7[%rem3A_256, %dma_start3A_518] : memref<2x896xi32, #tpu.memory_space<vmem>> -> memref<1x128xi32, #tpu.memory_space<vmem>>
        %dma_start3A_520 = tpu.memref_squeeze %dma_start3A_519 : memref<1x128xi32, #tpu.memory_space<vmem>> -> memref<128xi32, #tpu.memory_space<vmem>>
        %dma_start3A_521 = arith.constant 0 : i32
        %dma_start3A_522 = arith.constant 0 : i32
        %dma_start3A_523 = tpu.memref_slice %arg11[%dma_start3A_521, %dma_start3A_522] : memref<50000x16xf32, #tpu.memory_space<vmem_shared>> -> memref<50000x16xf32, #tpu.memory_space<vmem_shared>>
        tpu.enqueue_indirect_dma source(%dma_start3A_523 : memref<50000x16xf32, #tpu.memory_space<vmem_shared>>) target(%dma_start3A_517 : memref<128x16xf32, #tpu.memory_space<vmem>>) offsets(%dma_start3A_520 : memref<128xi32, #tpu.memory_space<vmem>>) semaphore(%arg13 : memref<!tpu.dma_semaphore, #tpu.memory_space<semaphore_mem>>)
        %dma_start3A_524 = arith.constant 512 : i32
        %dma_start3A_525 = arith.constant 0 : i32
        %dma_start3A_526 = tpu.memref_slice %arg8[%rem3A_256, %dma_start3A_524, %dma_start3A_525] : memref<2x896x16xf32, #tpu.memory_space<vmem>> -> memref<1x128x16xf32, #tpu.memory_space<vmem>>
        %dma_start3A_527 = tpu.memref_squeeze %dma_start3A_526 : memref<1x128x16xf32, #tpu.memory_space<vmem>> -> memref<128x16xf32, #tpu.memory_space<vmem>>
        %dma_start3A_528 = arith.constant 512 : i32
        %dma_start3A_529 = tpu.memref_slice %arg6[%rem3A_256, %dma_start3A_528] : memref<2x896xi32, #tpu.memory_space<vmem>> -> memref<1x128xi32, #tpu.memory_space<vmem>>
        %dma_start3A_530 = tpu.memref_squeeze %dma_start3A_529 : memref<1x128xi32, #tpu.memory_space<vmem>> -> memref<128xi32, #tpu.memory_space<vmem>>
        %dma_start3A_531 = arith.constant 0 : i32
        %dma_start3A_532 = arith.constant 0 : i32
        %dma_start3A_533 = tpu.memref_slice %arg11[%dma_start3A_531, %dma_start3A_532] : memref<50000x16xf32, #tpu.memory_space<vmem_shared>> -> memref<50000x16xf32, #tpu.memory_space<vmem_shared>>
        tpu.enqueue_indirect_dma source(%dma_start3A_533 : memref<50000x16xf32, #tpu.memory_space<vmem_shared>>) target(%dma_start3A_527 : memref<128x16xf32, #tpu.memory_space<vmem>>) offsets(%dma_start3A_530 : memref<128xi32, #tpu.memory_space<vmem>>) semaphore(%arg13 : memref<!tpu.dma_semaphore, #tpu.memory_space<semaphore_mem>>)
        %dma_start3A_534 = arith.constant 512 : i32
        %dma_start3A_535 = arith.constant 0 : i32
        %dma_start3A_536 = tpu.memref_slice %arg9[%rem3A_256, %dma_start3A_534, %dma_start3A_535] : memref<2x896x16xf32, #tpu.memory_space<vmem>> -> memref<1x128x16xf32, #tpu.memory_space<vmem>>
        %dma_start3A_537 = tpu.memref_squeeze %dma_start3A_536 : memref<1x128x16xf32, #tpu.memory_space<vmem>> -> memref<128x16xf32, #tpu.memory_space<vmem>>
        %dma_start3A_538 = arith.constant 512 : i32
        %dma_start3A_539 = tpu.memref_slice %arg7[%rem3A_256, %dma_start3A_538] : memref<2x896xi32, #tpu.memory_space<vmem>> -> memref<1x128xi32, #tpu.memory_space<vmem>>
        %dma_start3A_540 = tpu.memref_squeeze %dma_start3A_539 : memref<1x128xi32, #tpu.memory_space<vmem>> -> memref<128xi32, #tpu.memory_space<vmem>>
        %dma_start3A_541 = arith.constant 0 : i32
        %dma_start3A_542 = arith.constant 0 : i32
        %dma_start3A_543 = tpu.memref_slice %arg11[%dma_start3A_541, %dma_start3A_542] : memref<50000x16xf32, #tpu.memory_space<vmem_shared>> -> memref<50000x16xf32, #tpu.memory_space<vmem_shared>>
        tpu.enqueue_indirect_dma source(%dma_start3A_543 : memref<50000x16xf32, #tpu.memory_space<vmem_shared>>) target(%dma_start3A_537 : memref<128x16xf32, #tpu.memory_space<vmem>>) offsets(%dma_start3A_540 : memref<128xi32, #tpu.memory_space<vmem>>) semaphore(%arg13 : memref<!tpu.dma_semaphore, #tpu.memory_space<semaphore_mem>>)
        %dma_start3A_544 = arith.constant 640 : i32
        %dma_start3A_545 = arith.constant 0 : i32
        %dma_start3A_546 = tpu.memref_slice %arg8[%rem3A_256, %dma_start3A_544, %dma_start3A_545] : memref<2x896x16xf32, #tpu.memory_space<vmem>> -> memref<1x128x16xf32, #tpu.memory_space<vmem>>
        %dma_start3A_547 = tpu.memref_squeeze %dma_start3A_546 : memref<1x128x16xf32, #tpu.memory_space<vmem>> -> memref<128x16xf32, #tpu.memory_space<vmem>>
        %dma_start3A_548 = arith.constant 640 : i32
        %dma_start3A_549 = tpu.memref_slice %arg6[%rem3A_256, %dma_start3A_548] : memref<2x896xi32, #tpu.memory_space<vmem>> -> memref<1x128xi32, #tpu.memory_space<vmem>>
        %dma_start3A_550 = tpu.memref_squeeze %dma_start3A_549 : memref<1x128xi32, #tpu.memory_space<vmem>> -> memref<128xi32, #tpu.memory_space<vmem>>
        %dma_start3A_551 = arith.constant 0 : i32
        %dma_start3A_552 = arith.constant 0 : i32
        %dma_start3A_553 = tpu.memref_slice %arg11[%dma_start3A_551, %dma_start3A_552] : memref<50000x16xf32, #tpu.memory_space<vmem_shared>> -> memref<50000x16xf32, #tpu.memory_space<vmem_shared>>
        tpu.enqueue_indirect_dma source(%dma_start3A_553 : memref<50000x16xf32, #tpu.memory_space<vmem_shared>>) target(%dma_start3A_547 : memref<128x16xf32, #tpu.memory_space<vmem>>) offsets(%dma_start3A_550 : memref<128xi32, #tpu.memory_space<vmem>>) semaphore(%arg13 : memref<!tpu.dma_semaphore, #tpu.memory_space<semaphore_mem>>)
        %dma_start3A_554 = arith.constant 640 : i32
        %dma_start3A_555 = arith.constant 0 : i32
        %dma_start3A_556 = tpu.memref_slice %arg9[%rem3A_256, %dma_start3A_554, %dma_start3A_555] : memref<2x896x16xf32, #tpu.memory_space<vmem>> -> memref<1x128x16xf32, #tpu.memory_space<vmem>>
        %dma_start3A_557 = tpu.memref_squeeze %dma_start3A_556 : memref<1x128x16xf32, #tpu.memory_space<vmem>> -> memref<128x16xf32, #tpu.memory_space<vmem>>
        %dma_start3A_558 = arith.constant 640 : i32
        %dma_start3A_559 = tpu.memref_slice %arg7[%rem3A_256, %dma_start3A_558] : memref<2x896xi32, #tpu.memory_space<vmem>> -> memref<1x128xi32, #tpu.memory_space<vmem>>
        %dma_start3A_560 = tpu.memref_squeeze %dma_start3A_559 : memref<1x128xi32, #tpu.memory_space<vmem>> -> memref<128xi32, #tpu.memory_space<vmem>>
        %dma_start3A_561 = arith.constant 0 : i32
        %dma_start3A_562 = arith.constant 0 : i32
        %dma_start3A_563 = tpu.memref_slice %arg11[%dma_start3A_561, %dma_start3A_562] : memref<50000x16xf32, #tpu.memory_space<vmem_shared>> -> memref<50000x16xf32, #tpu.memory_space<vmem_shared>>
        tpu.enqueue_indirect_dma source(%dma_start3A_563 : memref<50000x16xf32, #tpu.memory_space<vmem_shared>>) target(%dma_start3A_557 : memref<128x16xf32, #tpu.memory_space<vmem>>) offsets(%dma_start3A_560 : memref<128xi32, #tpu.memory_space<vmem>>) semaphore(%arg13 : memref<!tpu.dma_semaphore, #tpu.memory_space<semaphore_mem>>)
        %dma_start3A_564 = arith.constant 768 : i32
        %dma_start3A_565 = arith.constant 0 : i32
        %dma_start3A_566 = tpu.memref_slice %arg8[%rem3A_256, %dma_start3A_564, %dma_start3A_565] : memref<2x896x16xf32, #tpu.memory_space<vmem>> -> memref<1x128x16xf32, #tpu.memory_space<vmem>>
        %dma_start3A_567 = tpu.memref_squeeze %dma_start3A_566 : memref<1x128x16xf32, #tpu.memory_space<vmem>> -> memref<128x16xf32, #tpu.memory_space<vmem>>
        %dma_start3A_568 = arith.constant 768 : i32
        %dma_start3A_569 = tpu.memref_slice %arg6[%rem3A_256, %dma_start3A_568] : memref<2x896xi32, #tpu.memory_space<vmem>> -> memref<1x128xi32, #tpu.memory_space<vmem>>
        %dma_start3A_570 = tpu.memref_squeeze %dma_start3A_569 : memref<1x128xi32, #tpu.memory_space<vmem>> -> memref<128xi32, #tpu.memory_space<vmem>>
        %dma_start3A_571 = arith.constant 0 : i32
        %dma_start3A_572 = arith.constant 0 : i32
        %dma_start3A_573 = tpu.memref_slice %arg11[%dma_start3A_571, %dma_start3A_572] : memref<50000x16xf32, #tpu.memory_space<vmem_shared>> -> memref<50000x16xf32, #tpu.memory_space<vmem_shared>>
        tpu.enqueue_indirect_dma source(%dma_start3A_573 : memref<50000x16xf32, #tpu.memory_space<vmem_shared>>) target(%dma_start3A_567 : memref<128x16xf32, #tpu.memory_space<vmem>>) offsets(%dma_start3A_570 : memref<128xi32, #tpu.memory_space<vmem>>) semaphore(%arg13 : memref<!tpu.dma_semaphore, #tpu.memory_space<semaphore_mem>>)
        %dma_start3A_574 = arith.constant 768 : i32
        %dma_start3A_575 = arith.constant 0 : i32
        %dma_start3A_576 = tpu.memref_slice %arg9[%rem3A_256, %dma_start3A_574, %dma_start3A_575] : memref<2x896x16xf32, #tpu.memory_space<vmem>> -> memref<1x128x16xf32, #tpu.memory_space<vmem>>
        %dma_start3A_577 = tpu.memref_squeeze %dma_start3A_576 : memref<1x128x16xf32, #tpu.memory_space<vmem>> -> memref<128x16xf32, #tpu.memory_space<vmem>>
        %dma_start3A_578 = arith.constant 768 : i32
        %dma_start3A_579 = tpu.memref_slice %arg7[%rem3A_256, %dma_start3A_578] : memref<2x896xi32, #tpu.memory_space<vmem>> -> memref<1x128xi32, #tpu.memory_space<vmem>>
        %dma_start3A_580 = tpu.memref_squeeze %dma_start3A_579 : memref<1x128xi32, #tpu.memory_space<vmem>> -> memref<128xi32, #tpu.memory_space<vmem>>
        %dma_start3A_581 = arith.constant 0 : i32
        %dma_start3A_582 = arith.constant 0 : i32
        %dma_start3A_583 = tpu.memref_slice %arg11[%dma_start3A_581, %dma_start3A_582] : memref<50000x16xf32, #tpu.memory_space<vmem_shared>> -> memref<50000x16xf32, #tpu.memory_space<vmem_shared>>
        tpu.enqueue_indirect_dma source(%dma_start3A_583 : memref<50000x16xf32, #tpu.memory_space<vmem_shared>>) target(%dma_start3A_577 : memref<128x16xf32, #tpu.memory_space<vmem>>) offsets(%dma_start3A_580 : memref<128xi32, #tpu.memory_space<vmem>>) semaphore(%arg13 : memref<!tpu.dma_semaphore, #tpu.memory_space<semaphore_mem>>)
      } else {
      }
      %dma_wait3A_261 = arith.constant 0 : i32
      %dma_wait3A_262 = arith.constant 0 : i32
      %dma_wait3A_263 = tpu.memref_slice %arg8[%rem3A_252, %dma_wait3A_261, %dma_wait3A_262] : memref<2x896x16xf32, #tpu.memory_space<vmem>> -> memref<1x128x16xf32, #tpu.memory_space<vmem>>
      %dma_wait3A_264 = tpu.memref_squeeze %dma_wait3A_263 : memref<1x128x16xf32, #tpu.memory_space<vmem>> -> memref<128x16xf32, #tpu.memory_space<vmem>>
      %dma_wait3A_265 = arith.constant 0 : i32
      %dma_wait3A_266 = tpu.memref_slice %arg6[%rem3A_252, %dma_wait3A_265] : memref<2x896xi32, #tpu.memory_space<vmem>> -> memref<1x128xi32, #tpu.memory_space<vmem>>
      %dma_wait3A_267 = tpu.memref_squeeze %dma_wait3A_266 : memref<1x128xi32, #tpu.memory_space<vmem>> -> memref<128xi32, #tpu.memory_space<vmem>>
      %dma_wait3A_268 = arith.constant 0 : i32
      %dma_wait3A_269 = arith.constant 0 : i32
      %dma_wait3A_270 = tpu.memref_slice %arg11[%dma_wait3A_268, %dma_wait3A_269] : memref<50000x16xf32, #tpu.memory_space<vmem_shared>> -> memref<50000x16xf32, #tpu.memory_space<vmem_shared>>
      tpu.wait_indirect_dma semaphore(%arg13 : memref<!tpu.dma_semaphore, #tpu.memory_space<semaphore_mem>>) src(%dma_wait3A_270 : memref<50000x16xf32, #tpu.memory_space<vmem_shared>>) dst(%dma_wait3A_264 : memref<128x16xf32, #tpu.memory_space<vmem>>)
      %dma_wait3A_271 = arith.constant 0 : i32
      %dma_wait3A_272 = arith.constant 0 : i32
      %dma_wait3A_273 = tpu.memref_slice %arg9[%rem3A_252, %dma_wait3A_271, %dma_wait3A_272] : memref<2x896x16xf32, #tpu.memory_space<vmem>> -> memref<1x128x16xf32, #tpu.memory_space<vmem>>
      %dma_wait3A_274 = tpu.memref_squeeze %dma_wait3A_273 : memref<1x128x16xf32, #tpu.memory_space<vmem>> -> memref<128x16xf32, #tpu.memory_space<vmem>>
      %dma_wait3A_275 = arith.constant 0 : i32
      %dma_wait3A_276 = tpu.memref_slice %arg7[%rem3A_252, %dma_wait3A_275] : memref<2x896xi32, #tpu.memory_space<vmem>> -> memref<1x128xi32, #tpu.memory_space<vmem>>
      %dma_wait3A_277 = tpu.memref_squeeze %dma_wait3A_276 : memref<1x128xi32, #tpu.memory_space<vmem>> -> memref<128xi32, #tpu.memory_space<vmem>>
      %dma_wait3A_278 = arith.constant 0 : i32
      %dma_wait3A_279 = arith.constant 0 : i32
      %dma_wait3A_280 = tpu.memref_slice %arg11[%dma_wait3A_278, %dma_wait3A_279] : memref<50000x16xf32, #tpu.memory_space<vmem_shared>> -> memref<50000x16xf32, #tpu.memory_space<vmem_shared>>
      tpu.wait_indirect_dma semaphore(%arg13 : memref<!tpu.dma_semaphore, #tpu.memory_space<semaphore_mem>>) src(%dma_wait3A_280 : memref<50000x16xf32, #tpu.memory_space<vmem_shared>>) dst(%dma_wait3A_274 : memref<128x16xf32, #tpu.memory_space<vmem>>)
      %dma_wait3A_281 = arith.constant 128 : i32
      %dma_wait3A_282 = arith.constant 0 : i32
      %dma_wait3A_283 = tpu.memref_slice %arg8[%rem3A_252, %dma_wait3A_281, %dma_wait3A_282] : memref<2x896x16xf32, #tpu.memory_space<vmem>> -> memref<1x128x16xf32, #tpu.memory_space<vmem>>
      %dma_wait3A_284 = tpu.memref_squeeze %dma_wait3A_283 : memref<1x128x16xf32, #tpu.memory_space<vmem>> -> memref<128x16xf32, #tpu.memory_space<vmem>>
      %dma_wait3A_285 = arith.constant 128 : i32
      %dma_wait3A_286 = tpu.memref_slice %arg6[%rem3A_252, %dma_wait3A_285] : memref<2x896xi32, #tpu.memory_space<vmem>> -> memref<1x128xi32, #tpu.memory_space<vmem>>
      %dma_wait3A_287 = tpu.memref_squeeze %dma_wait3A_286 : memref<1x128xi32, #tpu.memory_space<vmem>> -> memref<128xi32, #tpu.memory_space<vmem>>
      %dma_wait3A_288 = arith.constant 0 : i32
      %dma_wait3A_289 = arith.constant 0 : i32
      %dma_wait3A_290 = tpu.memref_slice %arg11[%dma_wait3A_288, %dma_wait3A_289] : memref<50000x16xf32, #tpu.memory_space<vmem_shared>> -> memref<50000x16xf32, #tpu.memory_space<vmem_shared>>
      tpu.wait_indirect_dma semaphore(%arg13 : memref<!tpu.dma_semaphore, #tpu.memory_space<semaphore_mem>>) src(%dma_wait3A_290 : memref<50000x16xf32, #tpu.memory_space<vmem_shared>>) dst(%dma_wait3A_284 : memref<128x16xf32, #tpu.memory_space<vmem>>)
      %dma_wait3A_291 = arith.constant 128 : i32
      %dma_wait3A_292 = arith.constant 0 : i32
      %dma_wait3A_293 = tpu.memref_slice %arg9[%rem3A_252, %dma_wait3A_291, %dma_wait3A_292] : memref<2x896x16xf32, #tpu.memory_space<vmem>> -> memref<1x128x16xf32, #tpu.memory_space<vmem>>
      %dma_wait3A_294 = tpu.memref_squeeze %dma_wait3A_293 : memref<1x128x16xf32, #tpu.memory_space<vmem>> -> memref<128x16xf32, #tpu.memory_space<vmem>>
      %dma_wait3A_295 = arith.constant 128 : i32
      %dma_wait3A_296 = tpu.memref_slice %arg7[%rem3A_252, %dma_wait3A_295] : memref<2x896xi32, #tpu.memory_space<vmem>> -> memref<1x128xi32, #tpu.memory_space<vmem>>
      %dma_wait3A_297 = tpu.memref_squeeze %dma_wait3A_296 : memref<1x128xi32, #tpu.memory_space<vmem>> -> memref<128xi32, #tpu.memory_space<vmem>>
      %dma_wait3A_298 = arith.constant 0 : i32
      %dma_wait3A_299 = arith.constant 0 : i32
      %dma_wait3A_300 = tpu.memref_slice %arg11[%dma_wait3A_298, %dma_wait3A_299] : memref<50000x16xf32, #tpu.memory_space<vmem_shared>> -> memref<50000x16xf32, #tpu.memory_space<vmem_shared>>
      tpu.wait_indirect_dma semaphore(%arg13 : memref<!tpu.dma_semaphore, #tpu.memory_space<semaphore_mem>>) src(%dma_wait3A_300 : memref<50000x16xf32, #tpu.memory_space<vmem_shared>>) dst(%dma_wait3A_294 : memref<128x16xf32, #tpu.memory_space<vmem>>)
      %dma_wait3A_301 = arith.constant 256 : i32
      %dma_wait3A_302 = arith.constant 0 : i32
      %dma_wait3A_303 = tpu.memref_slice %arg8[%rem3A_252, %dma_wait3A_301, %dma_wait3A_302] : memref<2x896x16xf32, #tpu.memory_space<vmem>> -> memref<1x128x16xf32, #tpu.memory_space<vmem>>
      %dma_wait3A_304 = tpu.memref_squeeze %dma_wait3A_303 : memref<1x128x16xf32, #tpu.memory_space<vmem>> -> memref<128x16xf32, #tpu.memory_space<vmem>>
      %dma_wait3A_305 = arith.constant 256 : i32
      %dma_wait3A_306 = tpu.memref_slice %arg6[%rem3A_252, %dma_wait3A_305] : memref<2x896xi32, #tpu.memory_space<vmem>> -> memref<1x128xi32, #tpu.memory_space<vmem>>
      %dma_wait3A_307 = tpu.memref_squeeze %dma_wait3A_306 : memref<1x128xi32, #tpu.memory_space<vmem>> -> memref<128xi32, #tpu.memory_space<vmem>>
      %dma_wait3A_308 = arith.constant 0 : i32
      %dma_wait3A_309 = arith.constant 0 : i32
      %dma_wait3A_310 = tpu.memref_slice %arg11[%dma_wait3A_308, %dma_wait3A_309] : memref<50000x16xf32, #tpu.memory_space<vmem_shared>> -> memref<50000x16xf32, #tpu.memory_space<vmem_shared>>
      tpu.wait_indirect_dma semaphore(%arg13 : memref<!tpu.dma_semaphore, #tpu.memory_space<semaphore_mem>>) src(%dma_wait3A_310 : memref<50000x16xf32, #tpu.memory_space<vmem_shared>>) dst(%dma_wait3A_304 : memref<128x16xf32, #tpu.memory_space<vmem>>)
      %dma_wait3A_311 = arith.constant 256 : i32
      %dma_wait3A_312 = arith.constant 0 : i32
      %dma_wait3A_313 = tpu.memref_slice %arg9[%rem3A_252, %dma_wait3A_311, %dma_wait3A_312] : memref<2x896x16xf32, #tpu.memory_space<vmem>> -> memref<1x128x16xf32, #tpu.memory_space<vmem>>
      %dma_wait3A_314 = tpu.memref_squeeze %dma_wait3A_313 : memref<1x128x16xf32, #tpu.memory_space<vmem>> -> memref<128x16xf32, #tpu.memory_space<vmem>>
      %dma_wait3A_315 = arith.constant 256 : i32
      %dma_wait3A_316 = tpu.memref_slice %arg7[%rem3A_252, %dma_wait3A_315] : memref<2x896xi32, #tpu.memory_space<vmem>> -> memref<1x128xi32, #tpu.memory_space<vmem>>
      %dma_wait3A_317 = tpu.memref_squeeze %dma_wait3A_316 : memref<1x128xi32, #tpu.memory_space<vmem>> -> memref<128xi32, #tpu.memory_space<vmem>>
      %dma_wait3A_318 = arith.constant 0 : i32
      %dma_wait3A_319 = arith.constant 0 : i32
      %dma_wait3A_320 = tpu.memref_slice %arg11[%dma_wait3A_318, %dma_wait3A_319] : memref<50000x16xf32, #tpu.memory_space<vmem_shared>> -> memref<50000x16xf32, #tpu.memory_space<vmem_shared>>
      tpu.wait_indirect_dma semaphore(%arg13 : memref<!tpu.dma_semaphore, #tpu.memory_space<semaphore_mem>>) src(%dma_wait3A_320 : memref<50000x16xf32, #tpu.memory_space<vmem_shared>>) dst(%dma_wait3A_314 : memref<128x16xf32, #tpu.memory_space<vmem>>)
      %dma_wait3A_321 = arith.constant 384 : i32
      %dma_wait3A_322 = arith.constant 0 : i32
      %dma_wait3A_323 = tpu.memref_slice %arg8[%rem3A_252, %dma_wait3A_321, %dma_wait3A_322] : memref<2x896x16xf32, #tpu.memory_space<vmem>> -> memref<1x128x16xf32, #tpu.memory_space<vmem>>
      %dma_wait3A_324 = tpu.memref_squeeze %dma_wait3A_323 : memref<1x128x16xf32, #tpu.memory_space<vmem>> -> memref<128x16xf32, #tpu.memory_space<vmem>>
      %dma_wait3A_325 = arith.constant 384 : i32
      %dma_wait3A_326 = tpu.memref_slice %arg6[%rem3A_252, %dma_wait3A_325] : memref<2x896xi32, #tpu.memory_space<vmem>> -> memref<1x128xi32, #tpu.memory_space<vmem>>
      %dma_wait3A_327 = tpu.memref_squeeze %dma_wait3A_326 : memref<1x128xi32, #tpu.memory_space<vmem>> -> memref<128xi32, #tpu.memory_space<vmem>>
      %dma_wait3A_328 = arith.constant 0 : i32
      %dma_wait3A_329 = arith.constant 0 : i32
      %dma_wait3A_330 = tpu.memref_slice %arg11[%dma_wait3A_328, %dma_wait3A_329] : memref<50000x16xf32, #tpu.memory_space<vmem_shared>> -> memref<50000x16xf32, #tpu.memory_space<vmem_shared>>
      tpu.wait_indirect_dma semaphore(%arg13 : memref<!tpu.dma_semaphore, #tpu.memory_space<semaphore_mem>>) src(%dma_wait3A_330 : memref<50000x16xf32, #tpu.memory_space<vmem_shared>>) dst(%dma_wait3A_324 : memref<128x16xf32, #tpu.memory_space<vmem>>)
      %dma_wait3A_331 = arith.constant 384 : i32
      %dma_wait3A_332 = arith.constant 0 : i32
      %dma_wait3A_333 = tpu.memref_slice %arg9[%rem3A_252, %dma_wait3A_331, %dma_wait3A_332] : memref<2x896x16xf32, #tpu.memory_space<vmem>> -> memref<1x128x16xf32, #tpu.memory_space<vmem>>
      %dma_wait3A_334 = tpu.memref_squeeze %dma_wait3A_333 : memref<1x128x16xf32, #tpu.memory_space<vmem>> -> memref<128x16xf32, #tpu.memory_space<vmem>>
      %dma_wait3A_335 = arith.constant 384 : i32
      %dma_wait3A_336 = tpu.memref_slice %arg7[%rem3A_252, %dma_wait3A_335] : memref<2x896xi32, #tpu.memory_space<vmem>> -> memref<1x128xi32, #tpu.memory_space<vmem>>
      %dma_wait3A_337 = tpu.memref_squeeze %dma_wait3A_336 : memref<1x128xi32, #tpu.memory_space<vmem>> -> memref<128xi32, #tpu.memory_space<vmem>>
      %dma_wait3A_338 = arith.constant 0 : i32
      %dma_wait3A_339 = arith.constant 0 : i32
      %dma_wait3A_340 = tpu.memref_slice %arg11[%dma_wait3A_338, %dma_wait3A_339] : memref<50000x16xf32, #tpu.memory_space<vmem_shared>> -> memref<50000x16xf32, #tpu.memory_space<vmem_shared>>
      tpu.wait_indirect_dma semaphore(%arg13 : memref<!tpu.dma_semaphore, #tpu.memory_space<semaphore_mem>>) src(%dma_wait3A_340 : memref<50000x16xf32, #tpu.memory_space<vmem_shared>>) dst(%dma_wait3A_334 : memref<128x16xf32, #tpu.memory_space<vmem>>)
      %dma_wait3A_341 = arith.constant 512 : i32
      %dma_wait3A_342 = arith.constant 0 : i32
      %dma_wait3A_343 = tpu.memref_slice %arg8[%rem3A_252, %dma_wait3A_341, %dma_wait3A_342] : memref<2x896x16xf32, #tpu.memory_space<vmem>> -> memref<1x128x16xf32, #tpu.memory_space<vmem>>
      %dma_wait3A_344 = tpu.memref_squeeze %dma_wait3A_343 : memref<1x128x16xf32, #tpu.memory_space<vmem>> -> memref<128x16xf32, #tpu.memory_space<vmem>>
      %dma_wait3A_345 = arith.constant 512 : i32
      %dma_wait3A_346 = tpu.memref_slice %arg6[%rem3A_252, %dma_wait3A_345] : memref<2x896xi32, #tpu.memory_space<vmem>> -> memref<1x128xi32, #tpu.memory_space<vmem>>
      %dma_wait3A_347 = tpu.memref_squeeze %dma_wait3A_346 : memref<1x128xi32, #tpu.memory_space<vmem>> -> memref<128xi32, #tpu.memory_space<vmem>>
      %dma_wait3A_348 = arith.constant 0 : i32
      %dma_wait3A_349 = arith.constant 0 : i32
      %dma_wait3A_350 = tpu.memref_slice %arg11[%dma_wait3A_348, %dma_wait3A_349] : memref<50000x16xf32, #tpu.memory_space<vmem_shared>> -> memref<50000x16xf32, #tpu.memory_space<vmem_shared>>
      tpu.wait_indirect_dma semaphore(%arg13 : memref<!tpu.dma_semaphore, #tpu.memory_space<semaphore_mem>>) src(%dma_wait3A_350 : memref<50000x16xf32, #tpu.memory_space<vmem_shared>>) dst(%dma_wait3A_344 : memref<128x16xf32, #tpu.memory_space<vmem>>)
      %dma_wait3A_351 = arith.constant 512 : i32
      %dma_wait3A_352 = arith.constant 0 : i32
      %dma_wait3A_353 = tpu.memref_slice %arg9[%rem3A_252, %dma_wait3A_351, %dma_wait3A_352] : memref<2x896x16xf32, #tpu.memory_space<vmem>> -> memref<1x128x16xf32, #tpu.memory_space<vmem>>
      %dma_wait3A_354 = tpu.memref_squeeze %dma_wait3A_353 : memref<1x128x16xf32, #tpu.memory_space<vmem>> -> memref<128x16xf32, #tpu.memory_space<vmem>>
      %dma_wait3A_355 = arith.constant 512 : i32
      %dma_wait3A_356 = tpu.memref_slice %arg7[%rem3A_252, %dma_wait3A_355] : memref<2x896xi32, #tpu.memory_space<vmem>> -> memref<1x128xi32, #tpu.memory_space<vmem>>
      %dma_wait3A_357 = tpu.memref_squeeze %dma_wait3A_356 : memref<1x128xi32, #tpu.memory_space<vmem>> -> memref<128xi32, #tpu.memory_space<vmem>>
      %dma_wait3A_358 = arith.constant 0 : i32
      %dma_wait3A_359 = arith.constant 0 : i32
      %dma_wait3A_360 = tpu.memref_slice %arg11[%dma_wait3A_358, %dma_wait3A_359] : memref<50000x16xf32, #tpu.memory_space<vmem_shared>> -> memref<50000x16xf32, #tpu.memory_space<vmem_shared>>
      tpu.wait_indirect_dma semaphore(%arg13 : memref<!tpu.dma_semaphore, #tpu.memory_space<semaphore_mem>>) src(%dma_wait3A_360 : memref<50000x16xf32, #tpu.memory_space<vmem_shared>>) dst(%dma_wait3A_354 : memref<128x16xf32, #tpu.memory_space<vmem>>)
      %dma_wait3A_361 = arith.constant 640 : i32
      %dma_wait3A_362 = arith.constant 0 : i32
      %dma_wait3A_363 = tpu.memref_slice %arg8[%rem3A_252, %dma_wait3A_361, %dma_wait3A_362] : memref<2x896x16xf32, #tpu.memory_space<vmem>> -> memref<1x128x16xf32, #tpu.memory_space<vmem>>
      %dma_wait3A_364 = tpu.memref_squeeze %dma_wait3A_363 : memref<1x128x16xf32, #tpu.memory_space<vmem>> -> memref<128x16xf32, #tpu.memory_space<vmem>>
      %dma_wait3A_365 = arith.constant 640 : i32
      %dma_wait3A_366 = tpu.memref_slice %arg6[%rem3A_252, %dma_wait3A_365] : memref<2x896xi32, #tpu.memory_space<vmem>> -> memref<1x128xi32, #tpu.memory_space<vmem>>
      %dma_wait3A_367 = tpu.memref_squeeze %dma_wait3A_366 : memref<1x128xi32, #tpu.memory_space<vmem>> -> memref<128xi32, #tpu.memory_space<vmem>>
      %dma_wait3A_368 = arith.constant 0 : i32
      %dma_wait3A_369 = arith.constant 0 : i32
      %dma_wait3A_370 = tpu.memref_slice %arg11[%dma_wait3A_368, %dma_wait3A_369] : memref<50000x16xf32, #tpu.memory_space<vmem_shared>> -> memref<50000x16xf32, #tpu.memory_space<vmem_shared>>
      tpu.wait_indirect_dma semaphore(%arg13 : memref<!tpu.dma_semaphore, #tpu.memory_space<semaphore_mem>>) src(%dma_wait3A_370 : memref<50000x16xf32, #tpu.memory_space<vmem_shared>>) dst(%dma_wait3A_364 : memref<128x16xf32, #tpu.memory_space<vmem>>)
      %dma_wait3A_371 = arith.constant 640 : i32
      %dma_wait3A_372 = arith.constant 0 : i32
      %dma_wait3A_373 = tpu.memref_slice %arg9[%rem3A_252, %dma_wait3A_371, %dma_wait3A_372] : memref<2x896x16xf32, #tpu.memory_space<vmem>> -> memref<1x128x16xf32, #tpu.memory_space<vmem>>
      %dma_wait3A_374 = tpu.memref_squeeze %dma_wait3A_373 : memref<1x128x16xf32, #tpu.memory_space<vmem>> -> memref<128x16xf32, #tpu.memory_space<vmem>>
      %dma_wait3A_375 = arith.constant 640 : i32
      %dma_wait3A_376 = tpu.memref_slice %arg7[%rem3A_252, %dma_wait3A_375] : memref<2x896xi32, #tpu.memory_space<vmem>> -> memref<1x128xi32, #tpu.memory_space<vmem>>
      %dma_wait3A_377 = tpu.memref_squeeze %dma_wait3A_376 : memref<1x128xi32, #tpu.memory_space<vmem>> -> memref<128xi32, #tpu.memory_space<vmem>>
      %dma_wait3A_378 = arith.constant 0 : i32
      %dma_wait3A_379 = arith.constant 0 : i32
      %dma_wait3A_380 = tpu.memref_slice %arg11[%dma_wait3A_378, %dma_wait3A_379] : memref<50000x16xf32, #tpu.memory_space<vmem_shared>> -> memref<50000x16xf32, #tpu.memory_space<vmem_shared>>
      tpu.wait_indirect_dma semaphore(%arg13 : memref<!tpu.dma_semaphore, #tpu.memory_space<semaphore_mem>>) src(%dma_wait3A_380 : memref<50000x16xf32, #tpu.memory_space<vmem_shared>>) dst(%dma_wait3A_374 : memref<128x16xf32, #tpu.memory_space<vmem>>)
      %dma_wait3A_381 = arith.constant 768 : i32
      %dma_wait3A_382 = arith.constant 0 : i32
      %dma_wait3A_383 = tpu.memref_slice %arg8[%rem3A_252, %dma_wait3A_381, %dma_wait3A_382] : memref<2x896x16xf32, #tpu.memory_space<vmem>> -> memref<1x128x16xf32, #tpu.memory_space<vmem>>
      %dma_wait3A_384 = tpu.memref_squeeze %dma_wait3A_383 : memref<1x128x16xf32, #tpu.memory_space<vmem>> -> memref<128x16xf32, #tpu.memory_space<vmem>>
      %dma_wait3A_385 = arith.constant 768 : i32
      %dma_wait3A_386 = tpu.memref_slice %arg6[%rem3A_252, %dma_wait3A_385] : memref<2x896xi32, #tpu.memory_space<vmem>> -> memref<1x128xi32, #tpu.memory_space<vmem>>
      %dma_wait3A_387 = tpu.memref_squeeze %dma_wait3A_386 : memref<1x128xi32, #tpu.memory_space<vmem>> -> memref<128xi32, #tpu.memory_space<vmem>>
      %dma_wait3A_388 = arith.constant 0 : i32
      %dma_wait3A_389 = arith.constant 0 : i32
      %dma_wait3A_390 = tpu.memref_slice %arg11[%dma_wait3A_388, %dma_wait3A_389] : memref<50000x16xf32, #tpu.memory_space<vmem_shared>> -> memref<50000x16xf32, #tpu.memory_space<vmem_shared>>
      tpu.wait_indirect_dma semaphore(%arg13 : memref<!tpu.dma_semaphore, #tpu.memory_space<semaphore_mem>>) src(%dma_wait3A_390 : memref<50000x16xf32, #tpu.memory_space<vmem_shared>>) dst(%dma_wait3A_384 : memref<128x16xf32, #tpu.memory_space<vmem>>)
      %dma_wait3A_391 = arith.constant 768 : i32
      %dma_wait3A_392 = arith.constant 0 : i32
      %dma_wait3A_393 = tpu.memref_slice %arg9[%rem3A_252, %dma_wait3A_391, %dma_wait3A_392] : memref<2x896x16xf32, #tpu.memory_space<vmem>> -> memref<1x128x16xf32, #tpu.memory_space<vmem>>
      %dma_wait3A_394 = tpu.memref_squeeze %dma_wait3A_393 : memref<1x128x16xf32, #tpu.memory_space<vmem>> -> memref<128x16xf32, #tpu.memory_space<vmem>>
      %dma_wait3A_395 = arith.constant 768 : i32
      %dma_wait3A_396 = tpu.memref_slice %arg7[%rem3A_252, %dma_wait3A_395] : memref<2x896xi32, #tpu.memory_space<vmem>> -> memref<1x128xi32, #tpu.memory_space<vmem>>
      %dma_wait3A_397 = tpu.memref_squeeze %dma_wait3A_396 : memref<1x128xi32, #tpu.memory_space<vmem>> -> memref<128xi32, #tpu.memory_space<vmem>>
      %dma_wait3A_398 = arith.constant 0 : i32
      %dma_wait3A_399 = arith.constant 0 : i32
      %dma_wait3A_400 = tpu.memref_slice %arg11[%dma_wait3A_398, %dma_wait3A_399] : memref<50000x16xf32, #tpu.memory_space<vmem_shared>> -> memref<50000x16xf32, #tpu.memory_space<vmem_shared>>
      tpu.wait_indirect_dma semaphore(%arg13 : memref<!tpu.dma_semaphore, #tpu.memory_space<semaphore_mem>>) src(%dma_wait3A_400 : memref<50000x16xf32, #tpu.memory_space<vmem_shared>>) dst(%dma_wait3A_394 : memref<128x16xf32, #tpu.memory_space<vmem>>)
      %scan3A_401 = arith.constant 0 : i32
      %scan3A_402 = arith.constant 0 : i32
      %scan3A_403 = arith.constant 56 : i32
      %scan3A_404 = arith.addi %scan3A_402, %scan3A_403 : i32
      %scan3A_405 = arith.constant 1 : i32
      scf.for %scan3A_419 = %scan3A_402 to %scan3A_404 step %scan3A_405  : i32 {
        %mul3A_420 = arith.constant 16 : i32
        %mul3A_421 = arith.muli %scan3A_419, %mul3A_420 : i32
        %add3A_422 = vector.broadcast %mul3A_421 : i32 to vector<16xi32>
        %add3A_423 = arith.addi %add3A_422, %iota3A : vector<16xi32>
        %jit3A = arith.constant 8 : i32
        %div3A = arith.divsi %scan3A_419, %jit3A : i32
        %sign3A = arith.constant 0 : i32
        %sign3A_424 = arith.cmpi sgt, %scan3A_419, %sign3A : i32
        %sign3A_425 = arith.extui %sign3A_424 : i1 to i32
        %sign3A_426 = arith.constant 0 : i32
        %sign3A_427 = arith.cmpi slt, %scan3A_419, %sign3A_426 : i32
        %sign3A_428 = arith.extui %sign3A_427 : i1 to i32
        %sign3A_429 = arith.subi %sign3A_425, %sign3A_428 : i32
        %sign3A_430 = arith.constant 0 : i32
        %sign3A_431 = arith.cmpi sgt, %jit3A, %sign3A_430 : i32
        %sign3A_432 = arith.extui %sign3A_431 : i1 to i32
        %sign3A_433 = arith.constant 0 : i32
        %sign3A_434 = arith.cmpi slt, %jit3A, %sign3A_433 : i32
        %sign3A_435 = arith.extui %sign3A_434 : i1 to i32
        %sign3A_436 = arith.subi %sign3A_432, %sign3A_435 : i32
        %ne3A = arith.cmpi ne, %sign3A_429, %sign3A_436 : i32
        %rem3A_437 = arith.remsi %scan3A_419, %jit3A : i32
        %ne3A_438 = arith.constant 0 : i32
        %ne3A_439 = arith.cmpi ne, %rem3A_437, %ne3A_438 : i32
        %and3A = arith.andi %ne3A, %ne3A_439 : i1
        %sub3A = arith.constant 1 : i32
        %sub3A_440 = arith.subi %div3A, %sub3A : i32
        %select_n3A = arith.select %and3A, %sub3A_440, %div3A : i32
        %mul3A_441 = arith.constant 3 : i32
        %mul3A_442 = arith.muli %mul3A_441, %select_n3A : i32
        %jit3A_443 = arith.constant 8 : i32
        %eq3A = arith.constant 0 : i32
        %eq3A_444 = arith.cmpi eq, %jit3A_443, %eq3A : i32
        %jit3A_445 = arith.constant 1 : i32
        %select_n3A_446 = arith.select %eq3A_444, %jit3A_445, %jit3A_443 : i32
        %rem3A_447 = arith.remsi %scan3A_419, %select_n3A_446 : i32
        %ne3A_448 = arith.constant 0 : i32
        %ne3A_449 = arith.cmpi ne, %rem3A_447, %ne3A_448 : i32
        %lt3A_450 = arith.constant 0 : i32
        %lt3A_451 = arith.cmpi slt, %rem3A_447, %lt3A_450 : i32
        %lt3A_452 = arith.constant 0 : i32
        %lt3A_453 = arith.cmpi slt, %select_n3A_446, %lt3A_452 : i32
        %ne3A_454 = arith.xori %lt3A_451, %lt3A_453 : i1
        %and3A_455 = arith.andi %ne3A_454, %ne3A_449 : i1
        %add3A_456 = arith.addi %rem3A_447, %select_n3A_446 : i32
        %select_n3A_457 = arith.select %and3A_455, %add3A_456, %rem3A_447 : i32
        %mul3A_458 = arith.constant 16 : i32
        %mul3A_459 = arith.muli %select_n3A_457, %mul3A_458 : i32
        %broadcast_in_dim3A = arith.constant 0 : i32
        %broadcast_in_dim3A_460 = vector.broadcast %broadcast_in_dim3A : i32 to vector<16xi32>
        %gather3A = arith.constant 0 : i32
        %gather3A_461 = arith.constant 0 : i32
        %gather3A_462 = tpu.memref_slice %arg8[%rem3A_252, %gather3A, %gather3A_461] : memref<2x896x16xf32, #tpu.memory_space<vmem>> -> memref<1x896x16xf32, #tpu.memory_space<vmem>>
        %gather3A_463 = tpu.memref_squeeze %gather3A_462 : memref<1x896x16xf32, #tpu.memory_space<vmem>> -> memref<896x16xf32, #tpu.memory_space<vmem>>
        %gather3A_464 = tpu.vector_load_idx %gather3A_463[%add3A_423, %broadcast_in_dim3A_460] : memref<896x16xf32, #tpu.memory_space<vmem>>[vector<16xi32>, vector<16xi32>], vector<16xf32>,
        %gather3A_465 = arith.constant 0 : i32
        %gather3A_466 = arith.constant 0 : i32
        %gather3A_467 = tpu.memref_slice %arg9[%rem3A_252, %gather3A_465, %gather3A_466] : memref<2x896x16xf32, #tpu.memory_space<vmem>> -> memref<1x896x16xf32, #tpu.memory_space<vmem>>
        %gather3A_468 = tpu.memref_squeeze %gather3A_467 : memref<1x896x16xf32, #tpu.memory_space<vmem>> -> memref<896x16xf32, #tpu.memory_space<vmem>>
        %gather3A_469 = tpu.vector_load_idx %gather3A_468[%add3A_423, %broadcast_in_dim3A_460] : memref<896x16xf32, #tpu.memory_space<vmem>>[vector<16xi32>, vector<16xi32>], vector<16xf32>,
        %sub3A_470 = arith.subf %gather3A_469, %gather3A_464 : vector<16xf32>
        %broadcast_in_dim3A_471 = arith.constant 1 : i32
        %broadcast_in_dim3A_472 = vector.broadcast %broadcast_in_dim3A_471 : i32 to vector<16xi32>
        %gather3A_473 = arith.constant 0 : i32
        %gather3A_474 = arith.constant 0 : i32
        %gather3A_475 = tpu.memref_slice %arg8[%rem3A_252, %gather3A_473, %gather3A_474] : memref<2x896x16xf32, #tpu.memory_space<vmem>> -> memref<1x896x16xf32, #tpu.memory_space<vmem>>
        %gather3A_476 = tpu.memref_squeeze %gather3A_475 : memref<1x896x16xf32, #tpu.memory_space<vmem>> -> memref<896x16xf32, #tpu.memory_space<vmem>>
        %gather3A_477 = tpu.vector_load_idx %gather3A_476[%add3A_423, %broadcast_in_dim3A_472] : memref<896x16xf32, #tpu.memory_space<vmem>>[vector<16xi32>, vector<16xi32>], vector<16xf32>,
        %gather3A_478 = arith.constant 0 : i32
        %gather3A_479 = arith.constant 0 : i32
        %gather3A_480 = tpu.memref_slice %arg9[%rem3A_252, %gather3A_478, %gather3A_479] : memref<2x896x16xf32, #tpu.memory_space<vmem>> -> memref<1x896x16xf32, #tpu.memory_space<vmem>>
        %gather3A_481 = tpu.memref_squeeze %gather3A_480 : memref<1x896x16xf32, #tpu.memory_space<vmem>> -> memref<896x16xf32, #tpu.memory_space<vmem>>
        %gather3A_482 = tpu.vector_load_idx %gather3A_481[%add3A_423, %broadcast_in_dim3A_472] : memref<896x16xf32, #tpu.memory_space<vmem>>[vector<16xi32>, vector<16xi32>], vector<16xf32>,
        %sub3A_483 = arith.subf %gather3A_482, %gather3A_477 : vector<16xf32>
        %broadcast_in_dim3A_484 = arith.constant 2 : i32
        %broadcast_in_dim3A_485 = vector.broadcast %broadcast_in_dim3A_484 : i32 to vector<16xi32>
        %gather3A_486 = arith.constant 0 : i32
        %gather3A_487 = arith.constant 0 : i32
        %gather3A_488 = tpu.memref_slice %arg8[%rem3A_252, %gather3A_486, %gather3A_487] : memref<2x896x16xf32, #tpu.memory_space<vmem>> -> memref<1x896x16xf32, #tpu.memory_space<vmem>>
        %gather3A_489 = tpu.memref_squeeze %gather3A_488 : memref<1x896x16xf32, #tpu.memory_space<vmem>> -> memref<896x16xf32, #tpu.memory_space<vmem>>
        %gather3A_490 = tpu.vector_load_idx %gather3A_489[%add3A_423, %broadcast_in_dim3A_485] : memref<896x16xf32, #tpu.memory_space<vmem>>[vector<16xi32>, vector<16xi32>], vector<16xf32>,
        %gather3A_491 = arith.constant 0 : i32
        %gather3A_492 = arith.constant 0 : i32
        %gather3A_493 = tpu.memref_slice %arg9[%rem3A_252, %gather3A_491, %gather3A_492] : memref<2x896x16xf32, #tpu.memory_space<vmem>> -> memref<1x896x16xf32, #tpu.memory_space<vmem>>
        %gather3A_494 = tpu.memref_squeeze %gather3A_493 : memref<1x896x16xf32, #tpu.memory_space<vmem>> -> memref<896x16xf32, #tpu.memory_space<vmem>>
        %gather3A_495 = tpu.vector_load_idx %gather3A_494[%add3A_423, %broadcast_in_dim3A_485] : memref<896x16xf32, #tpu.memory_space<vmem>>[vector<16xi32>, vector<16xi32>], vector<16xf32>,
        %sub3A_496 = arith.subf %gather3A_495, %gather3A_490 : vector<16xf32>
        %mul3A_497 = arith.mulf %sub3A_470, %sub3A_470 : vector<16xf32>
        %mul3A_498 = arith.mulf %sub3A_483, %sub3A_483 : vector<16xf32>
        %add3A_499 = arith.addf %mul3A_497, %mul3A_498 : vector<16xf32>
        %mul3A_500 = arith.mulf %sub3A_496, %sub3A_496 : vector<16xf32>
        %add3A_501 = arith.addf %add3A_499, %mul3A_500 : vector<16xf32>
        %bitcast3A = vector.bitcast %add3A_501 : vector<16xf32> to vector<16xi32>
        %shift_right_arithmetic3A = arith.constant 1 : i32
        %shift_right_arithmetic3A_502 = vector.broadcast %shift_right_arithmetic3A : i32 to vector<16xi32>
        %shift_right_arithmetic3A_503 = arith.shrsi %bitcast3A, %shift_right_arithmetic3A_502 : vector<16xi32>
        %sub3A_504 = arith.constant 1597463007 : i32
        %sub3A_505 = vector.broadcast %sub3A_504 : i32 to vector<16xi32>
        %sub3A_506 = arith.subi %sub3A_505, %shift_right_arithmetic3A_503 : vector<16xi32>
        %bitcast3A_507 = vector.bitcast %sub3A_506 : vector<16xi32> to vector<16xf32>
        %mul3A_508 = arith.constant 5.000000e-01 : f32
        %mul3A_509 = vector.broadcast %mul3A_508 : f32 to vector<16xf32>
        %mul3A_510 = arith.mulf %mul3A_509, %add3A_501 : vector<16xf32>
        %mul3A_511 = arith.mulf %mul3A_510, %bitcast3A_507 : vector<16xf32>
        %mul3A_512 = arith.mulf %mul3A_511, %bitcast3A_507 : vector<16xf32>
        %sub3A_513 = arith.constant 1.500000e+00 : f32
        %sub3A_514 = vector.broadcast %sub3A_513 : f32 to vector<16xf32>
        %sub3A_515 = arith.subf %sub3A_514, %mul3A_512 : vector<16xf32>
        %mul3A_516 = arith.mulf %bitcast3A_507, %sub3A_515 : vector<16xf32>
        %mul3A_517 = arith.constant 5.000000e-01 : f32
        %mul3A_518 = vector.broadcast %mul3A_517 : f32 to vector<16xf32>
        %mul3A_519 = arith.mulf %mul3A_518, %add3A_501 : vector<16xf32>
        %mul3A_520 = arith.mulf %mul3A_519, %mul3A_516 : vector<16xf32>
        %mul3A_521 = arith.mulf %mul3A_520, %mul3A_516 : vector<16xf32>
        %sub3A_522 = arith.constant 1.500000e+00 : f32
        %sub3A_523 = vector.broadcast %sub3A_522 : f32 to vector<16xf32>
        %sub3A_524 = arith.subf %sub3A_523, %mul3A_521 : vector<16xf32>
        %mul3A_525 = arith.mulf %mul3A_516, %sub3A_524 : vector<16xf32>
        %mul3A_526 = arith.constant 5.000000e-01 : f32
        %mul3A_527 = vector.broadcast %mul3A_526 : f32 to vector<16xf32>
        %mul3A_528 = arith.mulf %mul3A_527, %add3A_501 : vector<16xf32>
        %mul3A_529 = arith.mulf %mul3A_528, %mul3A_525 : vector<16xf32>
        %mul3A_530 = arith.mulf %mul3A_529, %mul3A_525 : vector<16xf32>
        %sub3A_531 = arith.constant 1.500000e+00 : f32
        %sub3A_532 = vector.broadcast %sub3A_531 : f32 to vector<16xf32>
        %sub3A_533 = arith.subf %sub3A_532, %mul3A_530 : vector<16xf32>
        %mul3A_534 = arith.mulf %mul3A_525, %sub3A_533 : vector<16xf32>
        %mul3A_535 = arith.mulf %add3A_501, %mul3A_534 : vector<16xf32>
        %add3A_536 = arith.constant 9.99999997E-7 : f32
        %add3A_537 = vector.broadcast %add3A_536 : f32 to vector<16xf32>
        %add3A_538 = arith.addf %mul3A_535, %add3A_537 : vector<16xf32>
        %div3A_539 = arith.constant 1.000000e+00 : f32
        %div3A_540 = vector.broadcast %div3A_539 : f32 to vector<16xf32>
        %div3A_541 = arith.divf %div3A_540, %add3A_538 : vector<16xf32>
        %mul3A_542 = arith.mulf %sub3A_470, %div3A_541 : vector<16xf32>
        %add3A_543 = arith.constant 0 : i32
        %add3A_544 = arith.addi %mul3A_442, %add3A_543 : i32
        %swap3A = arith.index_cast %rem3A_252 : i32 to index
        %swap3A_545 = arith.index_cast %add3A_544 : i32 to index
        %swap3A_546 = arith.index_cast %mul3A_459 : i32 to index
        %swap3A_547 = tpu.vector_load %arg10[%swap3A, %swap3A_545, %swap3A_546] {strides = array<i32>} : memref<2x21x128xf32, #tpu.memory_space<vmem>>, vector<16xf32>,
        tpu.vector_store %arg10[%swap3A, %swap3A_545, %swap3A_546], %mul3A_542 {strides = array<i32>} : memref<2x21x128xf32, #tpu.memory_space<vmem>>, vector<16xf32>,
        %mul3A_548 = arith.mulf %sub3A_483, %div3A_541 : vector<16xf32>
        %add3A_549 = arith.constant 1 : i32
        %add3A_550 = arith.addi %mul3A_442, %add3A_549 : i32
        %swap3A_551 = arith.index_cast %rem3A_252 : i32 to index
        %swap3A_552 = arith.index_cast %add3A_550 : i32 to index
        %swap3A_553 = arith.index_cast %mul3A_459 : i32 to index
        %swap3A_554 = tpu.vector_load %arg10[%swap3A_551, %swap3A_552, %swap3A_553] {strides = array<i32>} : memref<2x21x128xf32, #tpu.memory_space<vmem>>, vector<16xf32>,
        tpu.vector_store %arg10[%swap3A_551, %swap3A_552, %swap3A_553], %mul3A_548 {strides = array<i32>} : memref<2x21x128xf32, #tpu.memory_space<vmem>>, vector<16xf32>,
        %mul3A_555 = arith.mulf %sub3A_496, %div3A_541 : vector<16xf32>
        %add3A_556 = arith.constant 2 : i32
        %add3A_557 = arith.addi %mul3A_442, %add3A_556 : i32
        %swap3A_558 = arith.index_cast %rem3A_252 : i32 to index
        %swap3A_559 = arith.index_cast %add3A_557 : i32 to index
        %swap3A_560 = arith.index_cast %mul3A_459 : i32 to index
        %swap3A_561 = tpu.vector_load %arg10[%swap3A_558, %swap3A_559, %swap3A_560] {strides = array<i32>} : memref<2x21x128xf32, #tpu.memory_space<vmem>>, vector<16xf32>,
        tpu.vector_store %arg10[%swap3A_558, %swap3A_559, %swap3A_560], %mul3A_555 {strides = array<i32>} : memref<2x21x128xf32, #tpu.memory_space<vmem>>, vector<16xf32>,
      }
      %scan3A_406 = arith.constant 56 : i32
      %mul3A_407 = arith.constant 7 : i32
      %mul3A_408 = arith.muli %scan3A_251, %mul3A_407 : i32
      %add3A_409 = arith.addi %min3A_7, %mul3A_408 : i32
      %mul3A_410 = arith.constant 3 : i32
      %mul3A_411 = arith.muli %mul3A_410, %add3A_409 : i32
      "tpu.region"() ({
        %run_scoped3A = tpu.sem_alloc : memref<!tpu.dma_semaphore, #tpu.memory_space<semaphore_mem>>
        %dma_start3A_419 = arith.constant 0 : i32
        %dma_start3A_420 = arith.constant 0 : i32
        %dma_start3A_421 = tpu.memref_slice %arg10[%rem3A_252, %dma_start3A_419, %dma_start3A_420] : memref<2x21x128xf32, #tpu.memory_space<vmem>> -> memref<1x21x128xf32, #tpu.memory_space<vmem>>
        %dma_start3A_422 = tpu.memref_squeeze %dma_start3A_421 : memref<1x21x128xf32, #tpu.memory_space<vmem>> -> memref<21x128xf32, #tpu.memory_space<vmem>>
        %dma_start3A_423 = arith.constant 0 : i32
        %dma_start3A_424 = tpu.memref_slice %arg5[%mul3A_411, %dma_start3A_423] : memref<19200x128xf32, #tpu.memory_space<hbm>> -> memref<21x128xf32, #tpu.memory_space<hbm>>
        %dma_start3A_425 = arith.constant 0 : i32
        %dma_start3A_426 = tpu.memref_slice %arg5[%mul3A_411, %dma_start3A_425] : memref<19200x128xf32, #tpu.memory_space<hbm>> -> memref<21x128xf32, #tpu.memory_space<hbm>>
        %dma_start3A_427 = arith.constant 0 : i32
        %dma_start3A_428 = arith.constant 0 : i32
        %dma_start3A_429 = tpu.memref_slice %arg10[%rem3A_252, %dma_start3A_427, %dma_start3A_428] : memref<2x21x128xf32, #tpu.memory_space<vmem>> -> memref<1x21x128xf32, #tpu.memory_space<vmem>>
        %dma_start3A_430 = tpu.memref_squeeze %dma_start3A_429 : memref<1x21x128xf32, #tpu.memory_space<vmem>> -> memref<21x128xf32, #tpu.memory_space<vmem>>
        tpu.enqueue_dma source(%dma_start3A_430 : memref<21x128xf32, #tpu.memory_space<vmem>>) target(%dma_start3A_426 : memref<21x128xf32, #tpu.memory_space<hbm>>) target_semaphore(%run_scoped3A : memref<!tpu.dma_semaphore, #tpu.memory_space<semaphore_mem>>)
        %dma_wait3A_431 = arith.constant 0 : i32
        %dma_wait3A_432 = arith.constant 0 : i32
        %dma_wait3A_433 = tpu.memref_slice %arg10[%rem3A_252, %dma_wait3A_431, %dma_wait3A_432] : memref<2x21x128xf32, #tpu.memory_space<vmem>> -> memref<1x21x128xf32, #tpu.memory_space<vmem>>
        %dma_wait3A_434 = tpu.memref_squeeze %dma_wait3A_433 : memref<1x21x128xf32, #tpu.memory_space<vmem>> -> memref<21x128xf32, #tpu.memory_space<vmem>>
        %dma_wait3A_435 = arith.constant 0 : i32
        %dma_wait3A_436 = tpu.memref_slice %arg5[%mul3A_411, %dma_wait3A_435] : memref<19200x128xf32, #tpu.memory_space<hbm>> -> memref<21x128xf32, #tpu.memory_space<hbm>>
        %dma_wait3A_437 = arith.constant 0 : i32
        %dma_wait3A_438 = tpu.memref_slice %arg5[%mul3A_411, %dma_wait3A_437] : memref<19200x128xf32, #tpu.memory_space<hbm>> -> memref<21x128xf32, #tpu.memory_space<hbm>>
        %dma_wait3A_439 = arith.constant 0 : i32
        %dma_wait3A_440 = arith.constant 0 : i32
        %dma_wait3A_441 = tpu.memref_slice %arg10[%rem3A_252, %dma_wait3A_439, %dma_wait3A_440] : memref<2x21x128xf32, #tpu.memory_space<vmem>> -> memref<1x21x128xf32, #tpu.memory_space<vmem>>
        %dma_wait3A_442 = tpu.memref_squeeze %dma_wait3A_441 : memref<1x21x128xf32, #tpu.memory_space<vmem>> -> memref<21x128xf32, #tpu.memory_space<vmem>>
        tpu.wait_dma2 semaphore(%run_scoped3A : memref<!tpu.dma_semaphore, #tpu.memory_space<semaphore_mem>>) src(%dma_wait3A_442 : memref<21x128xf32, #tpu.memory_space<vmem>>) dst(%dma_wait3A_438 : memref<21x128xf32, #tpu.memory_space<hbm>>)
        tpu.yield
      }) : () -> ()
      %add3A_412 = arith.constant 2 : i32
      %add3A_413 = arith.addi %scan3A_251, %add3A_412 : i32
      %lt3A_414 = arith.constant 28 : i32
      %lt3A_415 = arith.cmpi slt, %add3A_413, %lt3A_414 : i32
      %convert_element_type3A_416 = arith.extui %lt3A_415 : i1 to i32
      %cond3A_417 = arith.constant 0 : i32
      %cond3A_418 = arith.cmpi ne, %convert_element_type3A_416, %cond3A_417 : i32
      scf.if %cond3A_418 {
        %add3A_419 = arith.constant 2 : i32
        %add3A_420 = arith.addi %scan3A_251, %add3A_419 : i32
        %mul3A_421 = arith.constant 7 : i32
        %mul3A_422 = arith.muli %add3A_420, %mul3A_421 : i32
        %add3A_423 = arith.addi %min3A_7, %mul3A_422 : i32
        %mul3A_424 = arith.constant 128 : i32
        %mul3A_425 = arith.muli %add3A_423, %mul3A_424 : i32
        %dma_start3A_426 = arith.constant 0 : i32
        %dma_start3A_427 = tpu.memref_slice %arg6[%rem3A_252, %dma_start3A_426] : memref<2x896xi32, #tpu.memory_space<vmem>> -> memref<1x896xi32, #tpu.memory_space<vmem>>
        %dma_start3A_428 = tpu.memref_squeeze %dma_start3A_427 : memref<1x896xi32, #tpu.memory_space<vmem>> -> memref<896xi32, #tpu.memory_space<vmem>>
        %dma_start3A_429 = tpu.memref_slice %arg3[%mul3A_425] : memref<800000xi32, #tpu.memory_space<hbm>> -> memref<896xi32, #tpu.memory_space<hbm>>
        %dma_start3A_430 = arith.constant 0 : i32
        %dma_start3A_431 = tpu.memref_slice %arg6[%rem3A_252, %dma_start3A_430] : memref<2x896xi32, #tpu.memory_space<vmem>> -> memref<1x896xi32, #tpu.memory_space<vmem>>
        %dma_start3A_432 = tpu.memref_squeeze %dma_start3A_431 : memref<1x896xi32, #tpu.memory_space<vmem>> -> memref<896xi32, #tpu.memory_space<vmem>>
        %dma_start3A_433 = tpu.memref_slice %arg3[%mul3A_425] : memref<800000xi32, #tpu.memory_space<hbm>> -> memref<896xi32, #tpu.memory_space<hbm>>
        tpu.enqueue_dma source(%dma_start3A_433 : memref<896xi32, #tpu.memory_space<hbm>>) target(%dma_start3A_432 : memref<896xi32, #tpu.memory_space<vmem>>) target_semaphore(%arg12 : memref<!tpu.dma_semaphore, #tpu.memory_space<semaphore_mem>>)
        %mul3A_434 = arith.constant 128 : i32
        %mul3A_435 = arith.muli %add3A_423, %mul3A_434 : i32
        %dma_start3A_436 = arith.constant 0 : i32
        %dma_start3A_437 = tpu.memref_slice %arg7[%rem3A_252, %dma_start3A_436] : memref<2x896xi32, #tpu.memory_space<vmem>> -> memref<1x896xi32, #tpu.memory_space<vmem>>
        %dma_start3A_438 = tpu.memref_squeeze %dma_start3A_437 : memref<1x896xi32, #tpu.memory_space<vmem>> -> memref<896xi32, #tpu.memory_space<vmem>>
        %dma_start3A_439 = tpu.memref_slice %arg4[%mul3A_435] : memref<800000xi32, #tpu.memory_space<hbm>> -> memref<896xi32, #tpu.memory_space<hbm>>
        %dma_start3A_440 = arith.constant 0 : i32
        %dma_start3A_441 = tpu.memref_slice %arg7[%rem3A_252, %dma_start3A_440] : memref<2x896xi32, #tpu.memory_space<vmem>> -> memref<1x896xi32, #tpu.memory_space<vmem>>
        %dma_start3A_442 = tpu.memref_squeeze %dma_start3A_441 : memref<1x896xi32, #tpu.memory_space<vmem>> -> memref<896xi32, #tpu.memory_space<vmem>>
        %dma_start3A_443 = tpu.memref_slice %arg4[%mul3A_435] : memref<800000xi32, #tpu.memory_space<hbm>> -> memref<896xi32, #tpu.memory_space<hbm>>
        tpu.enqueue_dma source(%dma_start3A_443 : memref<896xi32, #tpu.memory_space<hbm>>) target(%dma_start3A_442 : memref<896xi32, #tpu.memory_space<vmem>>) target_semaphore(%arg12 : memref<!tpu.dma_semaphore, #tpu.memory_space<semaphore_mem>>)
      } else {
      }
    }
    %scan3A_250 = arith.constant 28 : i32
    return
  }
}

</mosaic_0001>

<sc_bundles>
// kernel: _gather_call.3.cloned.1.call-start
scs
__scs_entry_jumppad:
0x0: {  	(pc) =	sbr.rel $0x88, $3  }
0x1: {  	(tag) =	ssettag $0x0;
	lr =	simm.s32 $0x1  }
0x2: {  	[smem:$0x3F9E] =	sst lr;
	_ =	strace $0xD0000000  }
0x3: {  	_ = 	snop  }
0x4: {  	_ = 	snop  }
0x5: {  	_ = 	snop  }
0x6: {  	_ = 	snop  }
0x7: {  	_ = 	snop  }
__scs_overlays_trampoline_lowered:
0x8: {  	[smem:$0x3FAD] =	sst s0  }
0x9: {  	[smem:$0x3FAE] =	sst s1  }
0xa: {  	[smem:$0x3FAF] =	sst s2  }
0xb: {  	[smem:$0x3FB0] =	sst s3  }
0xc: {  	[smem:$0x3FB1] =	sst s4  }
0xd: {  	[smem:$0x3FB2] =	sst s5  }
0xe: {  	[smem:$0x3FB3] =	sst s6  }
0xf: {  	[smem:$0x3FB4] =	sst s7  }
0x10: {  	[smem:$0x3FB5] =	sst s8  }
0x11: {  	[smem:$0x3FB6] =	sst s9;
	s0 =	simm.s32 @!p0 $0x0  }
0x12: {  	s1 =	sld [smem:$0x3F9C];
	s0 =	simm.s32 @p0 $0x1  }
0x13: {  	[smem:$0x3FB7] =	sst s0;
	s0 =	simm.s32 @!p1 $0x0  }
0x14: {  	s2 =	sld [smem:$0x3F9B];
	s0 =	simm.s32 @p1 $0x1  }
0x15: {  	[smem:$0x3FB8] =	sst s0;
	s0 =	simm.s32 @!p2 $0x0  }
0x16: {  	s3 =	sld [smem:$0x3FDB];
	s0 =	simm.s32 @p2 $0x1  }
0x17: {  	s4 =	simm.s32 $0x1BF5;
	[smem:$0x3FBA] =	sst s0  }
0x18: {  	s0 =	sld [smem:$0x3F9D];
	_ =	swait.ge [sflag:s4], $0x0  }
0x19: {  	s7 =	sld [smem:$0x3F9E]  }
0x1a: {  	s8 =	sadd.s32 $0xFFFFE003, lr  }
0x1b: {  	s9 =	sadd.s32 $0xFFFFFEF7, lr;
	s5 =	simm.s32 $0xFFFFFFFF;
	p2 =	slt.u32 s8, $0xFFFFF086  }
0x1c: {  	p1 =	slt.u32 s9, $0xF7A;
	s5 =	simm.s32 @!p2 $0x0  }
0x1d: {  	s5 =	simm.s32 @p1 $0x1;
	p0 =	seq.s32 s7, s2  }
0x1e: {  	s7 =	smul.u32 @!p0 $0xF7A, s2;
	p2 =	seq.s32 @!p0 s5, $0x0  }
0x1f: {  	s9 =	smul.u32 $0xF7A, s1;
	s8 =	simm.s32 @!p0 $0x1BF5;
	p2 =	por !p2, p0  }
0x20: {  	[sflag:s8] =	ssyncset.s32 @!p0 $0xFFFFF086;
	s6 =	sadd.s32 @!p0 s3, s7;
	s7 =	simm.s32 @!p0 $0x108  }
0x21: {  	s3 =	sadd.s32 s3, s9;
	s6 =	sadd.s32 @!p0 $0x88, s6;
	s7 =	simm.s32 @p2 $0x1082  }
0x22: {  	[simem:s7], [sflag:s8] =	dma.local @!p0 [hbm:s6], $0xF7A  }
0x23: {  	s9 =	sor.u32 $0xD0000000, s2;
	s6 =	simm.s32 $0x108;
	_ =	swait.ge @!p0 [sflag:s8], $0x0  }
0x24: {  	s3 =	sadd.s32 $0x88, s3;
	s6 =	simm.s32 @!p1 $0x1082;
	[sflag:s4] =	ssyncset.s32 $0xFFFFF086  }
0x25: {  	[simem:s6], [sflag:s4] =	dma.local [hbm:s3], $0xF7A  }
0x26: {  	[smem:$0x3F9E] =	sst s1;
	(tag) =	ssettag s2;
	_ =	strace s9  }
0x27: {  	s1 =	sld [smem:$0x3FAE]  }
0x28: {  	s2 =	sld [smem:$0x3FAF]  }
0x29: {  	s4 =	sld [smem:$0x3FB1]  }
0x2a: {  	p0 =	seq.s32 s5, $0x0;
	s5 =	sld [smem:$0x3FB2]  }
0x2b: {  	s6 =	sld [smem:$0x3FB3]  }
0x2c: {  	s7 =	sld [smem:$0x3FB4]  }
0x2d: {  	s3 =	simm.s32 $0x108;
	s8 =	sld [smem:$0x3FB5]  }
0x2e: {  	s3 =	simm.s32 @!p0 $0x1082;
	s9 =	sld [smem:$0x3FB6]  }
0x2f: {  	lr =	sadd.s32 s0, s3;
	s0 =	sld [smem:$0x3FAD]  }
0x30: {  	s3 =	sld [smem:$0x3FB0]  }
0x31: {  	[smem:$0x3FB9] =	sst s10  }
0x32: {  	s10 =	sld [smem:$0x3FB7];
	_ =	sdelay $0x3  }
0x33: {  	p0 =	seq.s32 s10, $0x1;
	s10 =	sld [smem:$0x3FB9];
	_ =	sdelay $0x3  }
0x34: {  	[smem:$0x3FB9] =	sst s10  }
0x35: {  	s10 =	sld [smem:$0x3FB8];
	_ =	sdelay $0x3  }
0x36: {  	p1 =	seq.s32 s10, $0x1;
	s10 =	sld [smem:$0x3FB9];
	_ =	sdelay $0x3  }
0x37: {  	[smem:$0x3FB9] =	sst s10  }
0x38: {  	s10 =	sld [smem:$0x3FBA]  }
0x39: {  	_ = 	snop;
	(pc) =	sbr.ind lr, $3  }
0x3a: {  	_ = 	snop  }
0x3b: {  	_ = 	snop  }
0x3c: {  	p2 =	seq.s32 s10, $0x1;
	s10 =	sld [smem:$0x3FB9]  }
0x3d: {  	_ =	shalt  }
0x3e: {  	_ =	shalt  }
0x3f: {  	_ =	shalt  }
0x40: {  	_ =	shalt  }
0x41: {  	_ =	shalt  }
0x42: {  	_ =	shalt  }
0x43: {  	_ =	shalt  }
0x44: {  	_ =	shalt  }
0x45: {  	_ =	shalt  }
0x46: {  	_ =	shalt  }
0x47: {  	_ =	shalt  }
0x48: {  	_ =	shalt  }
0x49: {  	_ =	shalt  }
0x4a: {  	_ =	shalt  }
0x4b: {  	_ =	shalt  }
0x4c: {  	_ =	shalt  }
0x4d: {  	_ =	shalt  }
0x4e: {  	_ =	shalt  }
0x4f: {  	_ =	shalt  }
0x50: {  	_ =	shalt  }
0x51: {  	_ =	shalt  }
0x52: {  	_ =	shalt  }
0x53: {  	_ =	shalt  }
0x54: {  	_ =	shalt  }
0x55: {  	_ =	shalt  }
0x56: {  	_ =	shalt  }
0x57: {  	_ =	shalt  }
0x58: {  	_ =	shalt  }
0x59: {  	_ =	shalt  }
0x5a: {  	_ =	shalt  }
0x5b: {  	_ =	shalt  }
0x5c: {  	_ =	shalt  }
0x5d: {  	_ =	shalt  }
0x5e: {  	_ =	shalt  }
0x5f: {  	_ =	shalt  }
0x60: {  	_ =	shalt  }
0x61: {  	_ =	shalt  }
0x62: {  	_ =	shalt  }
0x63: {  	_ =	shalt  }
0x64: {  	_ =	shalt  }
0x65: {  	_ =	shalt  }
0x66: {  	_ =	shalt  }
0x67: {  	_ =	shalt  }
0x68: {  	_ =	shalt  }
0x69: {  	_ =	shalt  }
0x6a: {  	_ =	shalt  }
0x6b: {  	_ =	shalt  }
0x6c: {  	_ =	shalt  }
0x6d: {  	_ =	shalt  }
0x6e: {  	_ =	shalt  }
0x6f: {  	_ =	shalt  }
0x70: {  	_ =	shalt  }
0x71: {  	_ =	shalt  }
0x72: {  	_ =	shalt  }
0x73: {  	_ =	shalt  }
0x74: {  	_ =	shalt  }
0x75: {  	_ =	shalt  }
0x76: {  	_ =	shalt  }
0x77: {  	_ =	shalt  }
0x78: {  	_ =	shalt  }
0x79: {  	_ =	shalt  }
0x7a: {  	_ =	shalt  }
0x7b: {  	_ =	shalt  }
0x7c: {  	_ =	shalt  }
0x7d: {  	_ =	shalt  }
0x7e: {  	_ =	shalt  }
0x7f: {  	_ =	shalt  }
0x80: {  	_ =	shalt  }
0x81: {  	_ =	shalt  }
0x82: {  	_ =	shalt  }
0x83: {  	_ =	shalt  }
0x84: {  	_ =	shalt  }
0x85: {  	_ =	shalt  }
0x86: {  	_ =	shalt  }
0x87: {  	_ =	shalt  }
.Lfunc_end0:
.L_simem_size_0:
called_computation_lowered:
.L_overlay_start_0:
0x88: {  	s2 =	sld [smem:$0x3FD9]  }
0x89: {  	s3 =	sld [smem:$0x3FFE];
	_ =	sdelay $0x1  }
0x8a: {  	s1 =	srdreg.scid  }
0x8b: {  	s0 =	sand.u32 $0x1, s1  }
0x8c: {  	s17 =	sshll.u32 s0, $0xA;
	s2 =	sadd.s32 s3, s2  }
0x8d: {  	s2 =	sadd.s32 s2, s17  }
0x8e: {  	[smem:$0x3FC5] =	sst s2  }
0x8f: {  	_ = 	snop  }
0x90: {  	s2 =	sld [smem:$0x3FC8]  }
0x91: {  	s18 =	sld [smem:$0x3FC7]  }
0x92: {  	s4 =	sld [smem:$0x3FD0];
	(tm) =	ssettm $0x1  }
0x93: {  	s5 =	sld [smem:$0x3FFB];
	_ =	sdelay $0x3  }
0x94: {  	_ =	strace s5  }
0x95: {  	s5 =	sld [smem:$0x3FFC];
	_ =	sdelay $0x3  }
0x96: {  	_ =	strace s5  }
0x97: {  	s5 =	sld [smem:$0x3FFD];
	_ =	sdelay $0x3  }
0x98: {  	_ =	strace s5  }
0x99: {  	_ =	strace $0x8FFFFFFF  }
0x9a: {  	s19 =	sld [smem:$0x3FDB];
	_ =	sdelay $0x1  }
0x9b: {  	s6 =	simm.s32 $_scs_section_size  }
0x9c: {  	s7 =	simm.s32 $_size__tile_overlayer_lowered;
	s8 =	simm.s32 $_tile_overlayer_lowered  }
0x9d: {  	s22 =	simm.s32 $0x1BFF;
	s21 =	sshll.u32 s8, $0x1;
	s5 =	sadd.s32 s6, s19  }
0x9e: {  	s9 =	simm.s32 $0x0;
	s20 =	sshll.u32 s7, $0x1;
	s7 =	sadd.s32 s21, s5  }
0x9f: {  	[timem:s9], [sflag:s22] =	dma.local [hbm:s7], s20  }
0xa0: {  	_ =	swait.ge [sflag:s22], s20  }
0xa1: {  	s6 =	ssub.s32 $0x0, s20;
	[sflag:s22] =	ssyncset.done $0x0  }
0xa2: {  	[sflag:s22] =	ssyncadd.s32 s6;
	_ =	sdelay $0x1  }
0xa3: {  	s23 =	simm.s32 $0x1B8B  }
0xa4: {  	_ =	swait.ge [sflag:s23], $0x1  }
0xa5: {  	[sflag:s23] =	ssyncset.done $0x0  }
0xa6: {  	s25 =	simm.s32 $0x1B8E;
	s24 =	sld [smem:$0x3FFE];
	[sflag:s23] =	ssyncadd.s32 $0xFFFFFFFF  }
0xa7: {  	s26 =	simm.s32 $execute0_lowered;
	[smem:$0x3FD2] =	sst s25  }
0xa8: {  	s7 =	sshll.u32 s26, $0x1;
	_ =	strace $0x80000046;
	[dreg:$0x1] =	wrdreg $0xFFFFFFFF  }
0xa9: {  	s28 =	simm.s32 $_size_execute0_lowered;
	s5 =	sadd.s32 s5, s7;
	[dreg:$0x0] =	wrdreg $0x0  }
0xaa: {  	s7 =	sshll.u32 s28, $0x1;
	[dreg:$0x2] =	wrdreg s5  }
0xab: {  	[dreg:$0x3] =	wrdreg s7  }
0xac: {  	[dreg:$0x4] =	wrdreg $0xC0  }
0xad: {  	_ =	task [dreg:s9], $0x5FFFF  }
0xae: {  	[dreg:$0x1] =	wrdreg $0xFFFFFFFF  }
0xaf: {  	[dreg:$0x0] =	wrdreg $0x60  }
0xb0: {  	[dreg:$0x2] =	wrdreg s24  }
0xb1: {  	[dreg:$0x3] =	wrdreg s2  }
0xb2: {  	[dreg:$0x4] =	wrdreg s18  }
0xb3: {  	[dreg:$0x5] =	wrdreg s4  }
0xb4: {  	[dreg:$0x6] =	wrdreg $0x103000  }
0xb5: {  	[dreg:$0x7] =	wrdreg $0x9  }
0xb6: {  	_ =	task.clear_ibuf [dreg:s9], $0x8FFFF;
	_ =	strace $0x90000046  }
0xb7: {  	s29 =	simm.s32 $0x9;
	_ =	strace $0x80000048  }
0xb8: {  	_ =	swait.ge [sflag:s29], $0x1  }
0xb9: {  	[sflag:s29] =	ssyncadd.s32 $0xFFFFFFFF  }
0xba: {  	_ =	strace $0x90000048  }
0xbb: {  	_ =	sfence  }
0xbc: {  	s30 =	sld [smem:$0x0];
	_ =	sdelay $0x2  }
0xbd: {  	s31 =	sshll.u32 s1, $0xD;
	s1 =	sshrl.u32 s1, $0x2  }
0xbe: {  	s3 =	sand.u32 $0x4000, s31;
	s1 =	sadd.s32 s1, s30  }
0xbf: {  	s0 =	sor.u32 s3, s0;
	s1 =	sshll.u32 s1, $0x11  }
0xc0: {  	s0 =	sor.u32 s1, s0  }
0xc1: {  	s0 =	sadd.s32 $0x8F2B, s0  }
0xc2: {  	[sflag:s0] =	ssyncadd.remote.s32 $0x1  }
0xc3: {  	_ =	sfence.sel $0xFFFF  }
0xc4: {  	[dreg:$0x0] =	wrdreg $0xFFFFFFFF;
	(pc) =	sbr.abs _section_cstart, $3  }
0xc5: {  	[dreg:$0x1] =	wrdreg $0xFFFFFFFF  }
0xc6: {  	_ =	task.clear_ibuf [dreg:s9], $0x2FFFF;
	_ =	strace $0x9FFFFFFF  }
0xc7: {  	(tm) =	ssettm $0x7FFFFFFF  }
tec
execute0_lowered:
.L_overlay_start_1:
0x0: {  	(tag) =	ssettag $0x1  }
0x1: {  	s0 =	rddreg [dreg:$0x0]  }
0x2: {  	s1 =	rddreg [dreg:$0x1]  }
0x3: {  	s3 =	rddreg [dreg:$0x2]  }
0x4: {  	s4 =	rddreg [dreg:$0x3]  }
0x5: {  	s5 =	rddreg [dreg:$0x4]  }
0x6: {  	s10 =	stileid.u32;
	s6 =	simm.s32 $0x0;
	s7 =	srdreg.scid  }
0x7: {  	s17 =	simm.s32 $0x3;
	s18 =	simm.s32 $0x700;
	s19 =	simm.s32 $0x1  }
0x8: {  	s20 =	simm.s32 $0x80;
	s24 =	simm.s32 $0x2;
	s25 =	simm.s32 $0x0  }
0x9: {  	s2 =	smul.u32 $0xC38, s10;
	[smem:$0x7FF] =	sst s6;
	s7 =	sand.u32 $0x1, s7  }
0xa: {  	s8 =	sshll.u32 s10, $0x1;
	s30 =	sshll.u32 s10, $0x6;
	_ =	strace $0x80000047  }
0xb: {  	s8 =	sor.u32 s7, s8;
	s7 =	ssub.s32 $0x2, s7;
	s2 =	smin.u32 s2, $0xB718  }
0xc: {  	s8 =	smul.u32 $0xC4, s8;
	s29 =	sshrl.u32 s7, $0x1;
	s9 =	sshll.u32 s2, $0x1  }
0xd: {  	s2 =	sshll.u32 s2, $0x4;
	s15 =	ssub.s32 s7, s29;
	s0 =	sadd.s32 s9, s0  }
0xe: {  	s2 =	sadd.s32 s2, s5;
	s7 =	smin.u32 s8, $0x17A6;
	s15 =	smax.u32 s15, $0x1  }
0xf: {  	s0 =	sadd.s32 $0x400, s0;
	s8 =	sshll.u32 s7, $0x4;
	s14 =	sadd.s32 $0xE, s7  }
0x10: {  	s16 =	sshrl.u32 s2, $0x3;
	[dreg:$0x6] =	wrdreg s0;
	s0 =	sor.u32 $0x1C03, s30  }
0x11: {  	v0 =	vlaneseq.u32;
	s10 =	sadd.s32 s1, s8;
	s31 =	sadd.s32 $0x70, s8;
	s11 =	sadd.s32 s3, s8  }
0x12: {  	v0 =	vmul.u32 $0x10, v0;
	[dreg:$0x7] =	wrdreg s0;
	s12 =	sadd.s32 s1, s31;
	s13 =	sadd.s32 s3, s31  }
.LBB2_1:
0x13: {  	s0 =	rddreg [dreg:$0x6]  }
0x14: {  	s2 =	rddreg [dreg:$0x7]  }
0x15: {  	[spmem:s16], [sflag:s2] =	dma.local [hbm:s0], $0x1870  }
0x16: {  	_ =	swait.ge [sflag:s17], $0x1870  }
0x17: {  	[sflag:s17] =	ssyncset.done $0x0  }
0x18: {  	[sflag:s17] =	ssyncadd.s32 $0xFFFFE790  }
0x19: {  	[bflag:$0x0] =	sbarrier.arrive $0xFFFF  }
0x1a: {  	[tilespmem:s6], [sflag:$0x1] =	stream.linear.gather [hbm4b:s10+s6], $0x380, $0x38;
	[tilespmem:$0x1C650] =	vst v63  }
0x1b: {  	_ = 	snop  }
0x1c: {  	[tilespmem:s18], [sflag:$0x1] =	stream.linear.gather [hbm4b:s11+s6], $0x380, $0x38;
	[tilespmem:$0x1C650] =	vst v63  }
0x1d: {  	_ =	swait.ge [sflag:s19], $0x380  }
0x1e: {  	[sflag:s19] =	ssyncset.done $0x0  }
0x1f: {  	[sflag:s19] =	ssyncadd.s32 $0xFFFFFC80  }
0x20: {  	_ =	swait.ge [sflag:s19], $0x380  }
0x21: {  	[sflag:s19] =	ssyncset.done $0x0  }
0x22: {  	s22 =	simm.s32 $0xE00;
	[sflag:s19] =	ssyncadd.s32 $0xFFFFFC80  }
0x23: {  	[tilespmem:s22], [sflag:$0x2] =	stream.indirect.gather [spmem:s5], $0x10, s6, s20, $0xb8;
	[tilespmem:$0x1C650] =	vst v63  }
0x24: {  	s23 =	simm.s32 $0x7E00  }
0x25: {  	[tilespmem:s23], [sflag:$0x2] =	stream.indirect.gather [spmem:s5], $0x10, s18, s20, $0xb8;
	[tilespmem:$0x1C650] =	vst v63  }
0x26: {  	s26 =	simm.s32 $0x1600  }
0x27: {  	[tilespmem:s26], [sflag:$0x2] =	stream.indirect.gather [spmem:s5], $0x10, s20, s20, $0xb8;
	[tilespmem:$0x1C650] =	vst v63  }
0x28: {  	s28 =	simm.s32 $0x780;
	s29 =	simm.s32 $0x8600  }
0x29: {  	[tilespmem:s29], [sflag:$0x2] =	stream.indirect.gather [spmem:s5], $0x10, s28, s20, $0xb8;
	[tilespmem:$0x1C650] =	vst v63  }
0x2a: {  	s30 =	simm.s32 $0x100;
	s31 =	simm.s32 $0x1E00  }
0x2b: {  	[tilespmem:s31], [sflag:$0x2] =	stream.indirect.gather [spmem:s5], $0x10, s30, s20, $0xb8;
	[tilespmem:$0x1C650] =	vst v63  }
0x2c: {  	s8 =	simm.s32 $0x800;
	s9 =	simm.s32 $0x8E00  }
0x2d: {  	[tilespmem:s9], [sflag:$0x2] =	stream.indirect.gather [spmem:s5], $0x10, s8, s20, $0xb8;
	[tilespmem:$0x1C650] =	vst v63  }
0x2e: {  	s21 =	simm.s32 $0x180;
	s22 =	simm.s32 $0x2600  }
0x2f: {  	[tilespmem:s22], [sflag:$0x2] =	stream.indirect.gather [spmem:s5], $0x10, s21, s20, $0xb8;
	[tilespmem:$0x1C650] =	vst v63  }
0x30: {  	s23 =	simm.s32 $0x880;
	s26 =	simm.s32 $0x9600  }
0x31: {  	[tilespmem:s26], [sflag:$0x2] =	stream.indirect.gather [spmem:s5], $0x10, s23, s20, $0xb8;
	[tilespmem:$0x1C650] =	vst v63  }
0x32: {  	s28 =	simm.s32 $0x200;
	s29 =	simm.s32 $0x2E00  }
0x33: {  	[tilespmem:s29], [sflag:$0x2] =	stream.indirect.gather [spmem:s5], $0x10, s28, s20, $0xb8;
	[tilespmem:$0x1C650] =	vst v63  }
0x34: {  	s30 =	simm.s32 $0x900;
	s31 =	simm.s32 $0x9E00  }
0x35: {  	[tilespmem:s31], [sflag:$0x2] =	stream.indirect.gather [spmem:s5], $0x10, s30, s20, $0xb8;
	[tilespmem:$0x1C650] =	vst v63  }
0x36: {  	s8 =	simm.s32 $0x280;
	s9 =	simm.s32 $0x3600  }
0x37: {  	[tilespmem:s9], [sflag:$0x2] =	stream.indirect.gather [spmem:s5], $0x10, s8, s20, $0xb8;
	[tilespmem:$0x1C650] =	vst v63  }
0x38: {  	s21 =	simm.s32 $0x980;
	s22 =	simm.s32 $0xA600  }
0x39: {  	[tilespmem:s22], [sflag:$0x2] =	stream.indirect.gather [spmem:s5], $0x10, s21, s20, $0xb8;
	[tilespmem:$0x1C650] =	vst v63  }
0x3a: {  	s23 =	simm.s32 $0x300;
	s26 =	simm.s32 $0x3E00  }
0x3b: {  	[tilespmem:s26], [sflag:$0x2] =	stream.indirect.gather [spmem:s5], $0x10, s23, s20, $0xb8;
	[tilespmem:$0x1C650] =	vst v63  }
0x3c: {  	s28 =	simm.s32 $0xA00;
	s29 =	simm.s32 $0xAE00  }
0x3d: {  	[tilespmem:s29], [sflag:$0x2] =	stream.indirect.gather [spmem:s5], $0x10, s28, s20, $0xb8;
	[tilespmem:$0x1C650] =	vst v63  }
0x3e: {  	s30 =	simm.s32 $0x380  }
0x3f: {  	[tilespmem:s30], [sflag:$0x1] =	stream.linear.gather [hbm4b:s12+s6], $0x380, $0x38;
	[tilespmem:$0x1C650] =	vst v63  }
0x40: {  	s31 =	simm.s32 $0xA80;
	s26 =	simm.s32 $0x0  }
0x41: {  	[tilespmem:s31], [sflag:$0x1] =	stream.linear.gather [hbm4b:s13+s6], $0x380, $0x38;
	[tilespmem:$0x1C650] =	vst v63  }
.LBB2_2:
0x42: {  	p0 =	seq.s32 s26, $0x1B  }
0x43: {  	s0 =	simm.s32 @!p0 $0x1  }
0x44: {  	_ =	swait.ge @!p0 [sflag:s0], $0x380  }
0x45: {  	s28 =	sadd.s32 $0x1, s26;
	[sflag:s0] =	ssyncset.done @!p0 $0x0  }
0x46: {  	s2 =	sand.u32 @!p0 $0x1, s28;
	[sflag:s0] =	ssyncadd.s32 @!p0 $0xFFFFFC80  }
0x47: {  	s8 =	smul.u32 @!p0 $0x3800, s2;
	_ =	swait.ge @!p0 [sflag:s0], $0x380  }
0x48: {  	s2 =	smul.u32 @!p0 $0x380, s2;
	[sflag:s0] =	ssyncset.done @!p0 $0x0  }
0x49: {  	s21 =	simm.s32 @!p0 $0x80;
	[sflag:s0] =	ssyncadd.s32 @!p0 $0xFFFFFC80;
	s0 =	sadd.s32 @!p0 $0xE00, s8  }
0x4a: {  	[tilespmem:s0], [sflag:$0x2] =	stream.indirect.gather @!p0 [spmem:s5], $0x10, s2, s21, $0xb8;
	[tilespmem:$0x1C650] =	vst v63  }
0x4b: {  	s22 =	sadd.s32 @!p0 $0x700, s2;
	s0 =	sadd.s32 @!p0 $0x7E00, s8  }
0x4c: {  	[tilespmem:s0], [sflag:$0x2] =	stream.indirect.gather @!p0 [spmem:s5], $0x10, s22, s21, $0xb8;
	[tilespmem:$0x1C650] =	vst v63  }
0x4d: {  	s0 =	sadd.s32 @!p0 $0x1600, s8;
	s22 =	sadd.s32 @!p0 $0x80, s2  }
0x4e: {  	[tilespmem:s0], [sflag:$0x2] =	stream.indirect.gather @!p0 [spmem:s5], $0x10, s22, s21, $0xb8;
	[tilespmem:$0x1C650] =	vst v63  }
0x4f: {  	s0 =	sor.u32 @!p0 $0x8600, s8;
	s22 =	sadd.s32 @!p0 $0x780, s2  }
0x50: {  	[tilespmem:s0], [sflag:$0x2] =	stream.indirect.gather @!p0 [spmem:s5], $0x10, s22, s21, $0xb8;
	[tilespmem:$0x1C650] =	vst v63  }
0x51: {  	s0 =	sadd.s32 @!p0 $0x1E00, s8;
	s22 =	sadd.s32 @!p0 $0x100, s2  }
0x52: {  	[tilespmem:s0], [sflag:$0x2] =	stream.indirect.gather @!p0 [spmem:s5], $0x10, s22, s21, $0xb8;
	[tilespmem:$0x1C650] =	vst v63  }
0x53: {  	s0 =	sadd.s32 @!p0 $0x8E00, s8;
	s22 =	sor.u32 @!p0 $0x800, s2  }
0x54: {  	[tilespmem:s0], [sflag:$0x2] =	stream.indirect.gather @!p0 [spmem:s5], $0x10, s22, s21, $0xb8;
	[tilespmem:$0x1C650] =	vst v63  }
0x55: {  	s0 =	sadd.s32 @!p0 $0x2600, s8;
	s22 =	sadd.s32 @!p0 $0x180, s2  }
0x56: {  	[tilespmem:s0], [sflag:$0x2] =	stream.indirect.gather @!p0 [spmem:s5], $0x10, s22, s21, $0xb8;
	[tilespmem:$0x1C650] =	vst v63  }
0x57: {  	s0 =	sadd.s32 @!p0 $0x9600, s8;
	s22 =	sadd.s32 @!p0 $0x880, s2  }
0x58: {  	[tilespmem:s0], [sflag:$0x2] =	stream.indirect.gather @!p0 [spmem:s5], $0x10, s22, s21, $0xb8;
	[tilespmem:$0x1C650] =	vst v63  }
0x59: {  	s0 =	sadd.s32 @!p0 $0x2E00, s8;
	s22 =	sadd.s32 @!p0 $0x200, s2  }
0x5a: {  	[tilespmem:s0], [sflag:$0x2] =	stream.indirect.gather @!p0 [spmem:s5], $0x10, s22, s21, $0xb8;
	[tilespmem:$0x1C650] =	vst v63  }
0x5b: {  	s0 =	sadd.s32 @!p0 $0x9E00, s8;
	s22 =	sadd.s32 @!p0 $0x900, s2  }
0x5c: {  	[tilespmem:s0], [sflag:$0x2] =	stream.indirect.gather @!p0 [spmem:s5], $0x10, s22, s21, $0xb8;
	[tilespmem:$0x1C650] =	vst v63  }
0x5d: {  	s0 =	sadd.s32 @!p0 $0x3600, s8;
	s22 =	sadd.s32 @!p0 $0x280, s2  }
0x5e: {  	[tilespmem:s0], [sflag:$0x2] =	stream.indirect.gather @!p0 [spmem:s5], $0x10, s22, s21, $0xb8;
	[tilespmem:$0x1C650] =	vst v63  }
0x5f: {  	s0 =	sadd.s32 @!p0 $0xA600, s8;
	s22 =	sadd.s32 @!p0 $0x980, s2  }
0x60: {  	[tilespmem:s0], [sflag:$0x2] =	stream.indirect.gather @!p0 [spmem:s5], $0x10, s22, s21, $0xb8;
	[tilespmem:$0x1C650] =	vst v63  }
0x61: {  	s0 =	sadd.s32 @!p0 $0x3E00, s8;
	s22 =	sadd.s32 @!p0 $0x300, s2  }
0x62: {  	[tilespmem:s0], [sflag:$0x2] =	stream.indirect.gather @!p0 [spmem:s5], $0x10, s22, s21, $0xb8;
	[tilespmem:$0x1C650] =	vst v63  }
0x63: {  	s2 =	sadd.s32 @!p0 $0xA00, s2;
	s0 =	sadd.s32 @!p0 $0xAE00, s8  }
0x64: {  	[tilespmem:s0], [sflag:$0x2] =	stream.indirect.gather @!p0 [spmem:s5], $0x10, s2, s21, $0xb8;
	[tilespmem:$0x1C650] =	vst v63  }
0x65: {  	_ =	swait.ge [sflag:s24], $0x800  }
0x66: {  	[sflag:s24] =	ssyncset.done $0x0  }
0x67: {  	[sflag:s24] =	ssyncadd.s32 $0xFFFFF800  }
0x68: {  	_ =	swait.ge [sflag:s24], $0x800  }
0x69: {  	[sflag:s24] =	ssyncset.done $0x0  }
0x6a: {  	[sflag:s24] =	ssyncadd.s32 $0xFFFFF800  }
0x6b: {  	_ =	swait.ge [sflag:s24], $0x800  }
0x6c: {  	[sflag:s24] =	ssyncset.done $0x0  }
0x6d: {  	[sflag:s24] =	ssyncadd.s32 $0xFFFFF800  }
0x6e: {  	_ =	swait.ge [sflag:s24], $0x800  }
0x6f: {  	[sflag:s24] =	ssyncset.done $0x0  }
0x70: {  	[sflag:s24] =	ssyncadd.s32 $0xFFFFF800  }
0x71: {  	_ =	swait.ge [sflag:s24], $0x800  }
0x72: {  	[sflag:s24] =	ssyncset.done $0x0  }
0x73: {  	[sflag:s24] =	ssyncadd.s32 $0xFFFFF800  }
0x74: {  	_ =	swait.ge [sflag:s24], $0x800  }
0x75: {  	[sflag:s24] =	ssyncset.done $0x0  }
0x76: {  	[sflag:s24] =	ssyncadd.s32 $0xFFFFF800  }
0x77: {  	_ =	swait.ge [sflag:s24], $0x800  }
0x78: {  	[sflag:s24] =	ssyncset.done $0x0  }
0x79: {  	[sflag:s24] =	ssyncadd.s32 $0xFFFFF800  }
0x7a: {  	_ =	swait.ge [sflag:s24], $0x800  }
0x7b: {  	[sflag:s24] =	ssyncset.done $0x0  }
0x7c: {  	[sflag:s24] =	ssyncadd.s32 $0xFFFFF800  }
0x7d: {  	_ =	swait.ge [sflag:s24], $0x800  }
0x7e: {  	[sflag:s24] =	ssyncset.done $0x0  }
0x7f: {  	[sflag:s24] =	ssyncadd.s32 $0xFFFFF800  }
0x80: {  	_ =	swait.ge [sflag:s24], $0x800  }
0x81: {  	[sflag:s24] =	ssyncset.done $0x0  }
0x82: {  	[sflag:s24] =	ssyncadd.s32 $0xFFFFF800  }
0x83: {  	_ =	swait.ge [sflag:s24], $0x800  }
0x84: {  	[sflag:s24] =	ssyncset.done $0x0  }
0x85: {  	[sflag:s24] =	ssyncadd.s32 $0xFFFFF800  }
0x86: {  	_ =	swait.ge [sflag:s24], $0x800  }
0x87: {  	s8 =	simm.s32 $0x0;
	[sflag:s24] =	ssyncset.done $0x0  }
0x88: {  	v1 =	vmov s8;
	[sflag:s24] =	ssyncadd.s32 $0xFFFFF800  }
0x89: {  	v1 =	vshll.u32 v1, $0x4;
	_ =	swait.ge [sflag:s24], $0x800  }
0x8a: {  	v1 =	vor.u32 v0, v1;
	[sflag:s24] =	ssyncset.done $0x0  }
0x8b: {  	s29 =	sand.u32 $0x1, s26;
	v2 =	vor.u32 $0x1, v1;
	[sflag:s24] =	ssyncadd.s32 $0xFFFFF800  }
0x8c: {  	s2 =	smul.u32 $0x3800, s29;
	_ =	swait.ge [sflag:s24], $0x800  }
0x8d: {  	[sflag:s24] =	ssyncset.done $0x0  }
0x8e: {  	s31 =	sadd.s32 $0x7E00, s2;
	v3 =	vor.u32 $0x2, v1;
	[sflag:s24] =	ssyncadd.s32 $0xFFFFF800  }
0x8f: {  	s0 =	sadd.s32 $0xE00, s2;
	v4 =	vld.idx.msk [tilespmem:v1+s31+$0x0], $0xffff  }
0x90: {  	v5 =	vld.idx.msk [tilespmem:v2+s0+$0x0], $0xffff  }
0x91: {  	v2 =	vld.idx.msk [tilespmem:v2+s31+$0x0], $0xffff  }
0x92: {  	v1 =	vld.idx.msk [tilespmem:v1+s0+$0x0], $0xffff  }
0x93: {  	v6 =	vld.idx.msk [tilespmem:v3+s0+$0x0], $0xffff  }
0x94: {  	v3 =	vld.idx.msk [tilespmem:v3+s31+$0x0], $0xffff;
	_ =	sdelay $0x2  }
0x95: {  	v1 =	vsub.f32 v4, v1;
	v4 =	vsub.f32 v2, v5;
	_ =	sdelay $0x1  }
0x96: {  	v5 =	vsub.f32 v3, v6;
	v2 =	vmul.f32 v1, v1;
	v3 =	vmul.f32 v4, v4;
	_ =	sdelay $0x1  }
0x97: {  	v2 =	vadd.f32 v3, v2;
	v3 =	vmul.f32 v5, v5;
	_ =	sdelay $0x1  }
0x98: {  	v2 =	vadd.f32 v3, v2;
	_ =	sdelay $0x1  }
0x99: {  	v3 =	vshra.s32 v2, $0x1;
	v6 =	vmul.f32 $5.000000000e-01, v2  }
0x9a: {  	v3 =	vsub.s32 $0x5F3759DF, v3  }
0x9b: {  	v7 =	vmul.f32 v3, v6;
	_ =	sdelay $0x1  }
0x9c: {  	v7 =	vmul.f32 v3, v7;
	_ =	sdelay $0x1  }
0x9d: {  	v7 =	vsub.f32 $1.500000000e+00, v7;
	_ =	sdelay $0x1  }
0x9e: {  	v3 =	vmul.f32 v3, v7;
	_ =	sdelay $0x1  }
0x9f: {  	v7 =	vmul.f32 v3, v6;
	_ =	sdelay $0x1  }
0xa0: {  	v7 =	vmul.f32 v7, v3;
	_ =	sdelay $0x1  }
0xa1: {  	v7 =	vsub.f32 $1.500000000e+00, v7;
	_ =	sdelay $0x1  }
0xa2: {  	v3 =	vmul.f32 v7, v3;
	_ =	sdelay $0x1  }
0xa3: {  	v6 =	vmul.f32 v3, v6;
	_ =	sdelay $0x1  }
0xa4: {  	v6 =	vmul.f32 v6, v3;
	_ =	sdelay $0x1  }
0xa5: {  	v6 =	vsub.f32 $1.500000000e+00, v6;
	_ =	sdelay $0x1  }
0xa6: {  	v3 =	vmul.f32 v6, v3;
	_ =	sdelay $0x1  }
0xa7: {  	v2 =	vmul.f32 v3, v2;
	_ =	sdelay $0x1  }
0xa8: {  	v2 =	vadd.f32 $9.999999970e-07, v2;
	_ =	sdelay $0x1  }
0xa9: {  	(erf) = vrcp.f32 v2;
	_ =	sdelay $0x5  }
0xaa: {  	s9 =	smul.u32 $0x2A00, s29;
	s22 =	simm.s32 $0x0  }
0xab: {  	s23 =	smul.u32 $0x600, s22;
	s2 =	simm.s32 $0x10  }
0xac: {  	s21 =	sshrl.u32 s9, $0x2;
	v2 =	vmov s2  }
0xad: {  	s22 =	simm.s32 $0x2;
	s30 =	sadd.s32 $0xEE00, s21;
	s9 =	sshra.s32 s23, $0x2;
	v2 =	vshll.u32 v2, $0x4;
	v3 =	vpop (erf)  }
0xae: {  	s21 =	simm.s32 $0x1;
	s23 =	sand.u32 $0x70, s8;
	s8 =	sadd.s32 s9, s30;
	v2 =	vor.u32 v0, v2;
	v4 =	vmul.f32 v3, v4;
	v5 =	vmul.f32 v3, v5  }
.LBB2_3:
0xaf: {  	p0 =	sne.s32 s22, $0x37;
	v6 =	vor.u32 $0x1, v2;
	v1 =	vmul.f32 v3, v1;
	s8 =	sadd.s32 s23, s8;
	s23 =	smov.u32 s2  }
0xb0: {  	[tilespmem:s8+$0x100] =	vst v5  }
0xb1: {  	[tilespmem:s8+$0x80] =	vst v4  }
0xb2: {  	v3 =	vor.u32 $0x2, v2;
	[tilespmem:s8+$0x0] =	vst v1  }
0xb3: {  	v1 =	vld.idx.msk [tilespmem:v2+s31+$0x0], $0xffff  }
0xb4: {  	v4 =	vld.idx.msk [tilespmem:v6+s0+$0x0], $0xffff  }
0xb5: {  	v5 =	vld.idx.msk [tilespmem:v6+s31+$0x0], $0xffff  }
0xb6: {  	v2 =	vld.idx.msk [tilespmem:v2+s0+$0x0], $0xffff  }
0xb7: {  	v6 =	vld.idx.msk [tilespmem:v3+s0+$0x0], $0xffff  }
0xb8: {  	v3 =	vld.idx.msk [tilespmem:v3+s31+$0x0], $0xffff;
	_ =	sdelay $0x3  }
0xb9: {  	v4 =	vsub.f32 v5, v4;
	v1 =	vsub.f32 v1, v2;
	_ =	sdelay $0x1  }
0xba: {  	v5 =	vsub.f32 v3, v6;
	v2 =	vmul.f32 v1, v1;
	v3 =	vmul.f32 v4, v4;
	_ =	sdelay $0x1  }
0xbb: {  	v2 =	vadd.f32 v3, v2;
	v3 =	vmul.f32 v5, v5;
	_ =	sdelay $0x1  }
0xbc: {  	v2 =	vadd.f32 v3, v2;
	_ =	sdelay $0x1  }
0xbd: {  	v3 =	vshra.s32 v2, $0x1;
	v6 =	vmul.f32 $5.000000000e-01, v2  }
0xbe: {  	v3 =	vsub.s32 $0x5F3759DF, v3  }
0xbf: {  	v7 =	vmul.f32 v3, v6;
	_ =	sdelay $0x1  }
0xc0: {  	v7 =	vmul.f32 v3, v7;
	_ =	sdelay $0x1  }
0xc1: {  	v7 =	vsub.f32 $1.500000000e+00, v7;
	_ =	sdelay $0x1  }
0xc2: {  	v3 =	vmul.f32 v3, v7;
	_ =	sdelay $0x1  }
0xc3: {  	v7 =	vmul.f32 v3, v6;
	_ =	sdelay $0x1  }
0xc4: {  	v7 =	vmul.f32 v7, v3;
	_ =	sdelay $0x1  }
0xc5: {  	v7 =	vsub.f32 $1.500000000e+00, v7;
	_ =	sdelay $0x1  }
0xc6: {  	v3 =	vmul.f32 v7, v3;
	_ =	sdelay $0x1  }
0xc7: {  	v6 =	vmul.f32 v3, v6;
	_ =	sdelay $0x1  }
0xc8: {  	v6 =	vmul.f32 v6, v3;
	_ =	sdelay $0x1  }
0xc9: {  	v6 =	vsub.f32 $1.500000000e+00, v6;
	_ =	sdelay $0x1  }
0xca: {  	v3 =	vmul.f32 v6, v3;
	_ =	sdelay $0x1  }
0xcb: {  	v2 =	vmul.f32 v3, v2;
	_ =	sdelay $0x1  }
0xcc: {  	v2 =	vadd.f32 $9.999999970e-07, v2;
	_ =	sdelay $0x1  }
0xcd: {  	(erf) = vrcp.f32 v2;
	_ =	sdelay $0x5  }
.Ltmp0:
0xce: {  	s8 =	sshrl.u32 s21, $0x3;
	s21 =	smov.u32 s22;
	(pc) =	sbr.rel @p0 .LBB2_3-.Ltmp0, $4  }
0xcf: {  	s2 =	sadd.s32 $0x10, s2;
	s8 =	smul.u32 $0x600, s8  }
0xd0: {  	v2 =	vmov s2  }
0xd1: {  	s8 =	sshra.s32 s8, $0x2;
	v2 =	vshll.u32 v2, $0x4;
	v3 =	vpop (erf)  }
0xd2: {  	s23 =	sand.u32 $0x70, s23;
	s22 =	sadd.s32 $0x1, s22;
	s8 =	sadd.s32 s8, s30;
	v2 =	vor.u32 v0, v2;
	v4 =	vmul.f32 v3, v4;
	v5 =	vmul.f32 v3, v5  }
0xd3: {  	s8 =	sadd.s32 s23, s8  }
0xd4: {  	v6 =	vor.u32 $0x1, v2;
	v1 =	vmul.f32 v3, v1;
	[tilespmem:s8+$0x100] =	vst v5  }
0xd5: {  	[tilespmem:s8+$0x80] =	vst v4  }
0xd6: {  	v3 =	vor.u32 $0x2, v2;
	[tilespmem:s8+$0x0] =	vst v1  }
0xd7: {  	v1 =	vld.idx.msk [tilespmem:v2+s31+$0x0], $0xffff  }
0xd8: {  	v2 =	vld.idx.msk [tilespmem:v2+s0+$0x0], $0xffff  }
0xd9: {  	v4 =	vld.idx.msk [tilespmem:v6+s0+$0x0], $0xffff  }
0xda: {  	v5 =	vld.idx.msk [tilespmem:v6+s31+$0x0], $0xffff  }
0xdb: {  	v60 =	vld.idx.msk [tilespmem:v3+s0+$0x0], $0xffff  }
0xdc: {  	v3 =	vld.idx.msk [tilespmem:v3+s31+$0x0], $0xffff;
	_ =	sdelay $0x2  }
0xdd: {  	v1 =	vsub.f32 v1, v2;
	v2 =	vsub.f32 v5, v4;
	_ =	sdelay $0x1  }
0xde: {  	v3 =	vsub.f32 v3, v60;
	v61 =	vmul.f32 v1, v1;
	v5 =	vmul.f32 v2, v2;
	_ =	sdelay $0x1  }
0xdf: {  	v62 =	vmul.f32 v3, v3;
	v4 =	vadd.f32 v5, v61;
	_ =	sdelay $0x1  }
0xe0: {  	v4 =	vadd.f32 v62, v4;
	_ =	sdelay $0x1  }
0xe1: {  	v5 =	vshra.s32 v4, $0x1;
	v63 =	vmul.f32 $5.000000000e-01, v4  }
0xe2: {  	v5 =	vsub.s32 $0x5F3759DF, v5  }
0xe3: {  	v7 =	vmul.f32 v5, v63;
	_ =	sdelay $0x1  }
0xe4: {  	v7 =	vmul.f32 v5, v7;
	_ =	sdelay $0x1  }
0xe5: {  	v7 =	vsub.f32 $1.500000000e+00, v7;
	_ =	sdelay $0x1  }
0xe6: {  	v5 =	vmul.f32 v5, v7;
	_ =	sdelay $0x1  }
0xe7: {  	v7 =	vmul.f32 v5, v63;
	_ =	sdelay $0x1  }
0xe8: {  	v7 =	vmul.f32 v7, v5;
	_ =	sdelay $0x1  }
0xe9: {  	v7 =	vsub.f32 $1.500000000e+00, v7;
	_ =	sdelay $0x1  }
0xea: {  	v5 =	vmul.f32 v7, v5;
	_ =	sdelay $0x1  }
0xeb: {  	v6 =	vmul.f32 v5, v63;
	_ =	sdelay $0x1  }
0xec: {  	v6 =	vmul.f32 v6, v5;
	_ =	sdelay $0x1  }
0xed: {  	v6 =	vsub.f32 $1.500000000e+00, v6;
	_ =	sdelay $0x1  }
0xee: {  	v5 =	vmul.f32 v6, v5;
	_ =	sdelay $0x1  }
0xef: {  	v4 =	vmul.f32 v5, v4;
	_ =	sdelay $0x1  }
0xf0: {  	v4 =	vadd.f32 $9.999999970e-07, v4;
	_ =	sdelay $0x1  }
0xf1: {  	(erf) = vrcp.f32 v4;
	_ =	sdelay $0x5  }
0xf2: {  	s22 =	sshrl.u32 s21, $0x3  }
0xf3: {  	s0 =	smul.u32 $0x600, s22;
	_ =	sdelay $0x1  }
0xf4: {  	s8 =	smul.u32 $0x7, s26;
	s0 =	sshra.s32 s0, $0x2;
	v4 =	vpop (erf)  }
0xf5: {  	s2 =	sand.u32 $0x70, s2;
	s0 =	sadd.s32 s0, s30;
	v3 =	vmul.f32 v4, v3  }
0xf6: {  	s23 =	sadd.s32 s7, s8;
	s0 =	sadd.s32 s2, s0;
	v2 =	vmul.f32 v4, v2  }
0xf7: {  	s2 =	smul.u32 $0x30, s23;
	v1 =	vmul.f32 v4, v1;
	[tilespmem:s0+$0x100] =	vst v3  }
0xf8: {  	[tilespmem:s0+$0x80] =	vst v2  }
0xf9: {  	p0 =	sgt.u32 s26, $0x19;
	s31 =	sadd.s32 s4, s2;
	[tilespmem:s0+$0x0] =	vst v1  }
0xfa: {  	[hbm4b:s31+s6] =	stream.linear.scatter [tilespmem:s30], [sflag:$0x3], $0xA80, $0x38;
	[tilespmem:$0x1C650] =	vst v63  }
0xfb: {  	s0 =	sadd.s32 @!p0 s8, s14;
	_ =	swait.ge [sflag:s17], $0xA80  }
0xfc: {  	s2 =	smul.u32 @!p0 $0x380, s29;
	s0 =	sshll.u32 @!p0 s0, $0x4;
	[sflag:s17] =	ssyncset.done $0x0  }
0xfd: {  	s9 =	simm.s32 @!p0 $0x0;
	s8 =	sadd.s32 @!p0 s1, s0;
	[sflag:s17] =	ssyncadd.s32 $0xFFFFF580  }
0xfe: {  	[tilespmem:s2], [sflag:$0x1] =	stream.linear.gather @!p0 [hbm4b:s8+s9], $0x380, $0x38;
	[tilespmem:$0x1C650] =	vst v63  }
0xff: {  	s0 =	sadd.s32 @!p0 s3, s0;
	s2 =	sadd.s32 @!p0 $0x700, s2  }
0x100: {  	[tilespmem:s2], [sflag:$0x1] =	stream.linear.gather @!p0 [hbm4b:s0+s9], $0x380, $0x38;
	[tilespmem:$0x1C650] =	vst v63  }
0x101: {  	p0 =	sne.s32 s28, $0x1C  }
.Ltmp1:
0x102: {  	_ = 	snop;
	(pc) =	sbr.rel @p0 .LBB2_2-.Ltmp1, $2  }
0x103: {  	_ =	sdelay $0x2  }
0x104: {  	s26 =	smov.u32 s28  }
0x105: {  	s25 =	sadd.s32 $0x1, s25  }
0x106: {  	p0 =	sne.s32 s25, s15  }
.Ltmp2:
0x107: {  	_ = 	snop;
	(pc) =	sbr.rel @p0 .LBB2_1-.Ltmp2, $1  }
0x108: {  	_ =	sdelay $0x3  }
0x109: {  	_ =	sfence.sel $0x180000  }
0x10a: {  	[bflag:$0x0] =	sbarrier.arrive $0xFFFF  }
0x10b: {  	_ =	strace $0x90000047  }
0x10c: {  	s0 =	stileid.u32;
	[bflag:$0x2] =	sbarrier.arrive $0xFFFF  }
0x10d: {  	p0 =	sne.s32 s0, $0x0;
	s0 =	rddreg [dreg:$0x5]  }
0x10e: {  	s0 =	sadd.s32 @!p0 $0x100000, s0  }
0x10f: {  	[sflag:s0] =	ssyncadd.tile.s32 @!p0 $0x1;
	_ =	shalt  }
.Lfunc_end2:
_tile_overlayer_lowered:
.L_overlay_start_2:
0x110: {  	(tag) =	ssettag $0x2  }
0x111: {  	s0 =	rddreg [dreg:$0x0];
	s2 =	stileid.u32  }
0x112: {  	s1 =	rddreg [dreg:$0x1];
	p0 =	sne.s32 s2, $0x0  }
0x113: {  	s3 =	rddreg [dreg:$0x2];
	[bflag:$0x3] =	sbarrier.arrive $0xFFFF;
	s2 =	simm.s32 @!p0 $0x1C03  }
0x114: {  	[timem:s3], [sflag:s2] =	dma.local @!p0 [hbm:s0], s1  }
0x115: {  	s0 =	simm.s32 @!p0 $0x3  }
0x116: {  	_ =	swait.ge @!p0 [sflag:s0], s1  }
0x117: {  	s1 =	ssub.s32 @!p0 $0x0, s1;
	[sflag:s0] =	ssyncset.done @!p0 $0x0  }
0x118: {  	[sflag:s0] =	ssyncadd.s32 @!p0 s1  }
0x119: {  	[bflag:$0x3] =	sbarrier.arrive $0xFFFF  }
0x11a: {  	_ =	shalt  }

</sc_bundles>
